<compile_context>
chip_gen: v7x
topology: tpu7x:2x2x1
jax: 0.10.2.dev20260603
libtpu: 0.0.44.dev20260713+nightly
codegen_flags: <defaults>
</compile_context>

<pallas_src>
import functools

import jax
import jax.numpy as jnp
from jax import lax
from jax.experimental import pallas as pl
from jax.experimental.pallas import tpu as pltpu
from jax.experimental.pallas import tpu_sc as plsc

KNN = 16
NPTS = 1024
NTAB = 256
NWORK = 32
TPW = NTAB // NWORK
CHUNK = 2048
NCH = (NPTS * KNN) // CHUNK


def _topk_body(xn_ref, xnT_ref, dist_ref, idx_ref, xout_ref, xc_ref):
    t = pl.program_id(0)
    b = pl.program_id(1)
    xn = xn_ref[0, 0]
    xnT = xnT_ref[0, 0]

    @pl.when(t == 0)
    def _init():
        xc_ref[b] = xn

    xc = xc_ref[b]

    e2 = jax.lax.dot_general(
        xc + xc, xn, dimension_numbers=(((1,), (1,)), ((), ())),
        preferred_element_type=jnp.float32)
    s1 = jnp.sum(xc * xc, axis=1, keepdims=True)
    s2 = jnp.sum(xnT * xnT, axis=0, keepdims=True)
    d = (s1 + s2) - e2

    iota_f = jax.lax.broadcasted_iota(
        jnp.int32, (NPTS, NPTS), 1).astype(jnp.float32)
    x0 = xnT[0:1, :]
    y0 = xnT[1:2, :]
    z0 = xnT[2:3, :]

    work = d
    dist_cols = []
    idx_cols = []
    xout = None
    for j in range(KNN):
        m = jnp.min(work, axis=1, keepdims=True)
        a = jnp.min(jnp.where(work == m, iota_f, jnp.float32(NPTS)),
                    axis=1, keepdims=True)
        sel = iota_f == a
        if j == 0:
            inf = jnp.float32(jnp.inf)
            px = jnp.min(jnp.where(sel, x0, inf), axis=1, keepdims=True)
            py = jnp.min(jnp.where(sel, y0, inf), axis=1, keepdims=True)
            pz = jnp.min(jnp.where(sel, z0, inf), axis=1, keepdims=True)
            xout = jnp.concatenate([px, py, pz], axis=1)
        if j < KNN - 1:
            work = jnp.where(sel, jnp.inf, work)
        dist_cols.append(m)
        idx_cols.append(a)

    idx_all = jnp.concatenate(idx_cols, axis=1).astype(jnp.int32)
    dist_ref[0, 0] = jnp.concatenate(dist_cols, axis=1)
    idx_ref[0, 0] = idx_all
    xout_ref[0, 0] = xout
    xc_ref[b] = xout


def _knn_chain(point_seq, point_seqT):
    B, T, N, _ = point_seq.shape
    return pl.pallas_call(
        _topk_body,
        grid=(T, B),
        in_specs=[
            pl.BlockSpec((1, 1, N, 3),
                         lambda t, b: (b, jnp.maximum(t - 1, 0), 0, 0)),
            pl.BlockSpec((1, 1, 3, N),
                         lambda t, b: (b, jnp.maximum(t - 1, 0), 0, 0)),
        ],
        out_specs=[
            pl.BlockSpec((1, 1, N, KNN), lambda t, b: (b, t, 0, 0)),
            pl.BlockSpec((1, 1, N, KNN), lambda t, b: (b, t, 0, 0)),
            pl.BlockSpec((1, 1, N, 3), lambda t, b: (b, t, 0, 0)),
        ],
        out_shape=[
            jax.ShapeDtypeStruct((B, T, N, KNN), jnp.float32),
            jax.ShapeDtypeStruct((B, T, N, KNN), jnp.int32),
            jax.ShapeDtypeStruct((B, T, N, 3), jnp.float32),
        ],
        scratch_shapes=[pltpu.VMEM((B, N, 3), jnp.float32)],
    )(point_seq, point_seqT)


def _sc_gather_body(tbl_hbm, idx_hbm, anc_hbm, pts_hbm, feats_hbm,
                    tbl_v, anc_v, idx_v, pts_v, feats_v):
    c = lax.axis_index("c")
    s = lax.axis_index("s")
    wid = s * 2 + c
    iota = lax.iota(jnp.int32, 16)
    zeros = jnp.zeros((16,), jnp.int32)

    b = (wid * TPW) // 32
    pltpu.sync_copy(anc_hbm.at[b], anc_v)

    def table_body(i, _):
        g = wid * TPW + i
        src = jnp.where(g % 32 != 0, g - 1, g)
        pltpu.sync_copy(tbl_hbm.at[src], tbl_v)

        def chunk_body(ch, _):
            pltpu.sync_copy(idx_hbm.at[g, pl.ds(ch * CHUNK, CHUNK)], idx_v)

            def vreg_body(v, _):
                iv = idx_v[pl.ds(v * 16, 16)] * 3
                px = plsc.load_gather(tbl_v, [iv])
                py = plsc.load_gather(tbl_v, [iv + 1])
                pz = plsc.load_gather(tbl_v, [iv + 2])
                nvec = zeros + (ch * (CHUNK // 16) + v) * 3
                ax = plsc.load_gather(anc_v, [nvec])
                ay = plsc.load_gather(anc_v, [nvec + 1])
                az = plsc.load_gather(anc_v, [nvec + 2])
                p3 = iota * 3 + v * 48
                plsc.store_scatter(pts_v, [p3], px)
                plsc.store_scatter(pts_v, [p3 + 1], py)
                plsc.store_scatter(pts_v, [p3 + 2], pz)
                p6 = iota * 6 + v * 96
                plsc.store_scatter(feats_v, [p6], px)
                plsc.store_scatter(feats_v, [p6 + 1], py)
                plsc.store_scatter(feats_v, [p6 + 2], pz)
                plsc.store_scatter(feats_v, [p6 + 3], px - ax)
                plsc.store_scatter(feats_v, [p6 + 4], py - ay)
                plsc.store_scatter(feats_v, [p6 + 5], pz - az)
                return 0

            lax.fori_loop(0, CHUNK // 16, vreg_body, 0)
            pltpu.sync_copy(pts_v, pts_hbm.at[g, pl.ds(ch * CHUNK * 3, CHUNK * 3)])
            pltpu.sync_copy(feats_v, feats_hbm.at[g, pl.ds(ch * CHUNK * 6, CHUNK * 6)])
            return 0

        lax.fori_loop(0, NCH, chunk_body, 0)
        return 0

    lax.fori_loop(0, TPW, table_body, 0)


def _sc_gather(tbl, idx, anc):
    mesh = plsc.VectorSubcoreMesh(core_axis_name="c", subcore_axis_name="s")
    f = pl.kernel(
        _sc_gather_body,
        out_type=[
            jax.ShapeDtypeStruct((NTAB, NPTS * KNN * 3), jnp.float32),
            jax.ShapeDtypeStruct((NTAB, NPTS * KNN * 6), jnp.float32),
        ],
        mesh=mesh,
        compiler_params=pltpu.CompilerParams(needs_layout_passes=False),
        scratch_types=[
            pltpu.VMEM((3 * NPTS,), jnp.float32),
            pltpu.VMEM((3 * NPTS,), jnp.float32),
            pltpu.VMEM((CHUNK,), jnp.int32),
            pltpu.VMEM((CHUNK * 3,), jnp.float32),
            pltpu.VMEM((CHUNK * 6,), jnp.float32),
        ],
    )
    return f(tbl, idx, anc)


def kernel(point_seq):
    b, t, n, _ = point_seq.shape
    distances, idxs, x_out = _knn_chain(point_seq, jnp.swapaxes(point_seq, 2, 3))

    tbl = point_seq.reshape(NTAB, NPTS * 3)
    idx_flat = idxs.reshape(NTAB, NPTS * KNN)
    anc = x_out[:, 0].reshape(b, NPTS * 3)
    pts_flat, feats_flat = _sc_gather(tbl, idx_flat, anc)
    patchlet_points = pts_flat.reshape(b, t, n, KNN, 3)
    patchlet_feats = feats_flat.reshape(b, t, n, KNN, 6)
    return patchlet_feats, patchlet_points, distances, idxs, x_out

# --- scband reference (transcript-rebuilt; emitter-appended) ---
"""Pipeline reference for scband-point-net2-patchlets-12781822673299 (READ-ONLY COPY).

The authoritative reference and input builder live on the scoring server;
editing this copy changes nothing except your own understanding.
"""

import jax, jax.numpy as jnp
import numpy as np

K = 16


def setup_inputs(seed: int = 0) -> dict:
    key = jax.random.key(seed)
    point_seq = jax.random.normal(key, (8, 32, 1024, 3), dtype=jnp.float32)
    return {"point_seq": point_seq}


def _knn(x1, x2, k):
    # exact brute-force kNN (replaces keops/faiss Kmin_argKmin): squared L2 distances
    d = (jnp.sum(x1 * x1, axis=-1, keepdims=True)
         + jnp.sum(x2 * x2, axis=-1)[:, None, :]
         - 2.0 * jnp.einsum('bnd,bmd->bnm', x1, x2))
    neg_d, idx = jax.lax.top_k(-d, k)
    return -neg_d, idx


def _index_points(points, idx):
    # points: [b, m, c], idx: [b, n, k] -> [b, n, k, c]
    return jax.vmap(lambda p, i: p[i])(points, idx)


def reference(point_seq):
    b, t, n, d = point_seq.shape
    k = K
    # feat_seq defaults to point_seq (feat_seq=None path)
    x2 = jnp.concatenate([point_seq[:, :1], point_seq], axis=1)[:, :-1]
    feat_seq_2 = x2  # shifted feature sequence (feats == points)
    x_current = point_seq[:, 0]
    pts_list, feats_list, dist_list, idx_list, xcur_list = [], [], [], [], []
    for i in range(t):
        x_next = x2[:, i]
        distances, idxs = _knn(x_current, x_next, k)
        gathered = _index_points(x_next, idxs)  # [b, n, k, 3]
        # sample_mode == 'nn': follow the nearest neighbor
        x_current = gathered[:, :, 0, :]
        xcur_list.append(x_current)
        pts_list.append(gathered)
        feats_list.append(_index_points(feat_seq_2[:, i], idxs))
        dist_list.append(distances)
        idx_list.append(idxs)
    patchlet_points = jnp.stack(pts_list, axis=1)   # [b, t, n, k, 3]
    patchlet_feats = jnp.stack(feats_list, axis=1)  # [b, t, n, k, 3]
    distances = jnp.stack(dist_list, axis=1)        # [b, t, n, k]
    idxs = jnp.stack(idx_list, axis=1)              # [b, t, n, k]
    # normalized_patchlet_points = patchlet_points - patchlet_points[:, 0, :, [0], :].unsqueeze(1)
    anchor = patchlet_points[:, 0, :, 0:1, :][:, None]  # [b, 1, n, 1, 3]
    normalized = patchlet_points - anchor
    patchlet_feats = jnp.concatenate([patchlet_feats, normalized], axis=-1)  # [b, t, n, k, 6]
    x_out = jnp.stack(xcur_list, axis=1)  # [b, t, n, 3]
    return patchlet_feats, patchlet_points, distances, idxs, x_out

if __name__ == "__main__":
    import jax
    _d = setup_inputs()
    print(jax.jit(kernel)(*tuple(_d.values())))

</pallas_src>

<mosaic_0001>
#map = affine_map<(d0, d1) -> (0, 0)>
module attributes {stable_mosaic.version = 14 : i64} {
  func.func @_sc_gather_body(%arg0: i32, %arg1: i32, %arg2: memref<256x3072xf32, #tpu.memory_space<hbm>>, %arg3: memref<256x16384xi32, #tpu.memory_space<hbm>>, %arg4: memref<8x3072xf32, #tpu.memory_space<hbm>>, %arg5: memref<256x49152xf32, #tpu.memory_space<hbm>>, %arg6: memref<256x98304xf32, #tpu.memory_space<hbm>>, %arg7: memref<3072xf32, #tpu.memory_space<vmem>>, %arg8: memref<3072xf32, #tpu.memory_space<vmem>>, %arg9: memref<2048xi32, #tpu.memory_space<vmem>>, %arg10: memref<6144xf32, #tpu.memory_space<vmem>>, %arg11: memref<12288xf32, #tpu.memory_space<vmem>>) attributes {dimension_semantics = [#tpu.dimension_semantics<core_parallel>, #tpu.dimension_semantics<subcore_parallel>], iteration_bounds = array<i64: 2, 16>, scalar_prefetch = 0 : i64, scratch_operands = 5 : i64, tpu.core_type = #tpu.core_type<sc_vector_subcore>, window_params = [{transform_indices = #map}, {transform_indices = #map}, {transform_indices = #map}, {transform_indices = #map}, {transform_indices = #map}]} {
    %mul3A = arith.constant 2 : i32
    %mul3A_0 = arith.muli %arg1, %mul3A : i32
    %add3A = arith.addi %mul3A_0, %arg0 : i32
    %iota3A = tpu.iota {dimensions = array<i32: 0>} : vector<16xi32>
    %broadcast_in_dim3A = arith.constant 0 : i32
    %broadcast_in_dim3A_1 = vector.broadcast %broadcast_in_dim3A : i32 to vector<16xi32>
    %mul3A_2 = arith.constant 8 : i32
    %mul3A_3 = arith.muli %add3A, %mul3A_2 : i32
    %jit3A = arith.constant 32 : i32
    %div3A = arith.divsi %mul3A_3, %jit3A : i32
    %sign3A = arith.constant 0 : i32
    %sign3A_4 = arith.cmpi sgt, %mul3A_3, %sign3A : i32
    %sign3A_5 = arith.extui %sign3A_4 : i1 to i32
    %sign3A_6 = arith.constant 0 : i32
    %sign3A_7 = arith.cmpi slt, %mul3A_3, %sign3A_6 : i32
    %sign3A_8 = arith.extui %sign3A_7 : i1 to i32
    %sign3A_9 = arith.subi %sign3A_5, %sign3A_8 : i32
    %sign3A_10 = arith.constant 0 : i32
    %sign3A_11 = arith.cmpi sgt, %jit3A, %sign3A_10 : i32
    %sign3A_12 = arith.extui %sign3A_11 : i1 to i32
    %sign3A_13 = arith.constant 0 : i32
    %sign3A_14 = arith.cmpi slt, %jit3A, %sign3A_13 : i32
    %sign3A_15 = arith.extui %sign3A_14 : i1 to i32
    %sign3A_16 = arith.subi %sign3A_12, %sign3A_15 : i32
    %ne3A = arith.cmpi ne, %sign3A_9, %sign3A_16 : i32
    %rem3A = arith.remsi %mul3A_3, %jit3A : i32
    %ne3A_17 = arith.constant 0 : i32
    %ne3A_18 = arith.cmpi ne, %rem3A, %ne3A_17 : i32
    %and3A = arith.andi %ne3A, %ne3A_18 : i1
    %sub3A = arith.constant 1 : i32
    %sub3A_19 = arith.subi %div3A, %sub3A : i32
    %select_n3A = arith.select %and3A, %sub3A_19, %div3A : i32
    "tpu.region"() ({
      %run_scoped3A = tpu.sem_alloc : memref<!tpu.dma_semaphore, #tpu.memory_space<semaphore_mem>>
      %dma_start3A = arith.constant 0 : i32
      %dma_start3A_26 = tpu.memref_slice %arg4[%select_n3A, %dma_start3A] : memref<8x3072xf32, #tpu.memory_space<hbm>> -> memref<1x3072xf32, #tpu.memory_space<hbm>>
      %dma_start3A_27 = tpu.memref_squeeze %dma_start3A_26 : memref<1x3072xf32, #tpu.memory_space<hbm>> -> memref<3072xf32, #tpu.memory_space<hbm>>
      %dma_start3A_28 = arith.constant 0 : i32
      %dma_start3A_29 = tpu.memref_slice %arg4[%select_n3A, %dma_start3A_28] : memref<8x3072xf32, #tpu.memory_space<hbm>> -> memref<1x3072xf32, #tpu.memory_space<hbm>>
      %dma_start3A_30 = tpu.memref_squeeze %dma_start3A_29 : memref<1x3072xf32, #tpu.memory_space<hbm>> -> memref<3072xf32, #tpu.memory_space<hbm>>
      tpu.enqueue_dma source(%dma_start3A_30 : memref<3072xf32, #tpu.memory_space<hbm>>) target(%arg8 : memref<3072xf32, #tpu.memory_space<vmem>>) target_semaphore(%run_scoped3A : memref<!tpu.dma_semaphore, #tpu.memory_space<semaphore_mem>>)
      %dma_wait3A = arith.constant 0 : i32
      %dma_wait3A_31 = tpu.memref_slice %arg4[%select_n3A, %dma_wait3A] : memref<8x3072xf32, #tpu.memory_space<hbm>> -> memref<1x3072xf32, #tpu.memory_space<hbm>>
      %dma_wait3A_32 = tpu.memref_squeeze %dma_wait3A_31 : memref<1x3072xf32, #tpu.memory_space<hbm>> -> memref<3072xf32, #tpu.memory_space<hbm>>
      %dma_wait3A_33 = arith.constant 0 : i32
      %dma_wait3A_34 = tpu.memref_slice %arg4[%select_n3A, %dma_wait3A_33] : memref<8x3072xf32, #tpu.memory_space<hbm>> -> memref<1x3072xf32, #tpu.memory_space<hbm>>
      %dma_wait3A_35 = tpu.memref_squeeze %dma_wait3A_34 : memref<1x3072xf32, #tpu.memory_space<hbm>> -> memref<3072xf32, #tpu.memory_space<hbm>>
      tpu.wait_dma2 semaphore(%run_scoped3A : memref<!tpu.dma_semaphore, #tpu.memory_space<semaphore_mem>>) src(%dma_wait3A_35 : memref<3072xf32, #tpu.memory_space<hbm>>) dst(%arg8 : memref<3072xf32, #tpu.memory_space<vmem>>)
      tpu.yield
    }) : () -> ()
    %scan3A = arith.constant 0 : i32
    %scan3A_20 = arith.constant 0 : i32
    %scan3A_21 = arith.constant 8 : i32
    %scan3A_22 = arith.addi %scan3A_20, %scan3A_21 : i32
    %scan3A_23 = arith.constant 1 : i32
    %scan3A_24 = scf.for %scan3A_26 = %scan3A_20 to %scan3A_22 step %scan3A_23 iter_args(%scan3A_27 = %scan3A) -> (i32)  : i32 {
      %mul3A_28 = arith.constant 8 : i32
      %mul3A_29 = arith.muli %add3A, %mul3A_28 : i32
      %add3A_30 = arith.addi %mul3A_29, %scan3A_26 : i32
      %jit3A_31 = arith.constant 32 : i32
      %eq3A = arith.constant 0 : i32
      %eq3A_32 = arith.cmpi eq, %jit3A_31, %eq3A : i32
      %jit3A_33 = arith.constant 1 : i32
      %select_n3A_34 = arith.select %eq3A_32, %jit3A_33, %jit3A_31 : i32
      %rem3A_35 = arith.remsi %add3A_30, %select_n3A_34 : i32
      %ne3A_36 = arith.constant 0 : i32
      %ne3A_37 = arith.cmpi ne, %rem3A_35, %ne3A_36 : i32
      %lt3A = arith.constant 0 : i32
      %lt3A_38 = arith.cmpi slt, %rem3A_35, %lt3A : i32
      %lt3A_39 = arith.constant 0 : i32
      %lt3A_40 = arith.cmpi slt, %select_n3A_34, %lt3A_39 : i32
      %ne3A_41 = arith.xori %lt3A_38, %lt3A_40 : i1
      %and3A_42 = arith.andi %ne3A_41, %ne3A_37 : i1
      %add3A_43 = arith.addi %rem3A_35, %select_n3A_34 : i32
      %select_n3A_44 = arith.select %and3A_42, %add3A_43, %rem3A_35 : i32
      %ne3A_45 = arith.constant 0 : i32
      %ne3A_46 = arith.cmpi ne, %select_n3A_44, %ne3A_45 : i32
      %sub3A_47 = arith.constant 1 : i32
      %sub3A_48 = arith.subi %add3A_30, %sub3A_47 : i32
      %select_n3A_49 = arith.select %ne3A_46, %sub3A_48, %add3A_30 : i32
      "tpu.region"() ({
        %run_scoped3A = tpu.sem_alloc : memref<!tpu.dma_semaphore, #tpu.memory_space<semaphore_mem>>
        %dma_start3A = arith.constant 0 : i32
        %dma_start3A_58 = tpu.memref_slice %arg2[%select_n3A_49, %dma_start3A] : memref<256x3072xf32, #tpu.memory_space<hbm>> -> memref<1x3072xf32, #tpu.memory_space<hbm>>
        %dma_start3A_59 = tpu.memref_squeeze %dma_start3A_58 : memref<1x3072xf32, #tpu.memory_space<hbm>> -> memref<3072xf32, #tpu.memory_space<hbm>>
        %dma_start3A_60 = arith.constant 0 : i32
        %dma_start3A_61 = tpu.memref_slice %arg2[%select_n3A_49, %dma_start3A_60] : memref<256x3072xf32, #tpu.memory_space<hbm>> -> memref<1x3072xf32, #tpu.memory_space<hbm>>
        %dma_start3A_62 = tpu.memref_squeeze %dma_start3A_61 : memref<1x3072xf32, #tpu.memory_space<hbm>> -> memref<3072xf32, #tpu.memory_space<hbm>>
        tpu.enqueue_dma source(%dma_start3A_62 : memref<3072xf32, #tpu.memory_space<hbm>>) target(%arg7 : memref<3072xf32, #tpu.memory_space<vmem>>) target_semaphore(%run_scoped3A : memref<!tpu.dma_semaphore, #tpu.memory_space<semaphore_mem>>)
        %dma_wait3A = arith.constant 0 : i32
        %dma_wait3A_63 = tpu.memref_slice %arg2[%select_n3A_49, %dma_wait3A] : memref<256x3072xf32, #tpu.memory_space<hbm>> -> memref<1x3072xf32, #tpu.memory_space<hbm>>
        %dma_wait3A_64 = tpu.memref_squeeze %dma_wait3A_63 : memref<1x3072xf32, #tpu.memory_space<hbm>> -> memref<3072xf32, #tpu.memory_space<hbm>>
        %dma_wait3A_65 = arith.constant 0 : i32
        %dma_wait3A_66 = tpu.memref_slice %arg2[%select_n3A_49, %dma_wait3A_65] : memref<256x3072xf32, #tpu.memory_space<hbm>> -> memref<1x3072xf32, #tpu.memory_space<hbm>>
        %dma_wait3A_67 = tpu.memref_squeeze %dma_wait3A_66 : memref<1x3072xf32, #tpu.memory_space<hbm>> -> memref<3072xf32, #tpu.memory_space<hbm>>
        tpu.wait_dma2 semaphore(%run_scoped3A : memref<!tpu.dma_semaphore, #tpu.memory_space<semaphore_mem>>) src(%dma_wait3A_67 : memref<3072xf32, #tpu.memory_space<hbm>>) dst(%arg7 : memref<3072xf32, #tpu.memory_space<vmem>>)
        tpu.yield
      }) : () -> ()
      %scan3A_50 = arith.constant 0 : i32
      %scan3A_51 = arith.constant 0 : i32
      %scan3A_52 = arith.constant 8 : i32
      %scan3A_53 = arith.addi %scan3A_51, %scan3A_52 : i32
      %scan3A_54 = arith.constant 1 : i32
      %scan3A_55 = scf.for %scan3A_58 = %scan3A_51 to %scan3A_53 step %scan3A_54 iter_args(%scan3A_59 = %scan3A_50) -> (i32)  : i32 {
        %mul3A_60 = arith.constant 2048 : i32
        %mul3A_61 = arith.muli %scan3A_58, %mul3A_60 : i32
        "tpu.region"() ({
          %run_scoped3A = tpu.sem_alloc : memref<!tpu.dma_semaphore, #tpu.memory_space<semaphore_mem>>
          %dma_start3A = tpu.memref_slice %arg3[%add3A_30, %mul3A_61] : memref<256x16384xi32, #tpu.memory_space<hbm>> -> memref<1x2048xi32, #tpu.memory_space<hbm>>
          %dma_start3A_78 = tpu.memref_squeeze %dma_start3A : memref<1x2048xi32, #tpu.memory_space<hbm>> -> memref<2048xi32, #tpu.memory_space<hbm>>
          %dma_start3A_79 = tpu.memref_slice %arg3[%add3A_30, %mul3A_61] : memref<256x16384xi32, #tpu.memory_space<hbm>> -> memref<1x2048xi32, #tpu.memory_space<hbm>>
          %dma_start3A_80 = tpu.memref_squeeze %dma_start3A_79 : memref<1x2048xi32, #tpu.memory_space<hbm>> -> memref<2048xi32, #tpu.memory_space<hbm>>
          tpu.enqueue_dma source(%dma_start3A_80 : memref<2048xi32, #tpu.memory_space<hbm>>) target(%arg9 : memref<2048xi32, #tpu.memory_space<vmem>>) target_semaphore(%run_scoped3A : memref<!tpu.dma_semaphore, #tpu.memory_space<semaphore_mem>>)
          %dma_wait3A = tpu.memref_slice %arg3[%add3A_30, %mul3A_61] : memref<256x16384xi32, #tpu.memory_space<hbm>> -> memref<1x2048xi32, #tpu.memory_space<hbm>>
          %dma_wait3A_81 = tpu.memref_squeeze %dma_wait3A : memref<1x2048xi32, #tpu.memory_space<hbm>> -> memref<2048xi32, #tpu.memory_space<hbm>>
          %dma_wait3A_82 = tpu.memref_slice %arg3[%add3A_30, %mul3A_61] : memref<256x16384xi32, #tpu.memory_space<hbm>> -> memref<1x2048xi32, #tpu.memory_space<hbm>>
          %dma_wait3A_83 = tpu.memref_squeeze %dma_wait3A_82 : memref<1x2048xi32, #tpu.memory_space<hbm>> -> memref<2048xi32, #tpu.memory_space<hbm>>
          tpu.wait_dma2 semaphore(%run_scoped3A : memref<!tpu.dma_semaphore, #tpu.memory_space<semaphore_mem>>) src(%dma_wait3A_83 : memref<2048xi32, #tpu.memory_space<hbm>>) dst(%arg9 : memref<2048xi32, #tpu.memory_space<vmem>>)
          tpu.yield
        }) : () -> ()
        %scan3A_62 = arith.constant 0 : i32
        %scan3A_63 = arith.constant 0 : i32
        %scan3A_64 = arith.constant 128 : i32
        %scan3A_65 = arith.addi %scan3A_63, %scan3A_64 : i32
        %scan3A_66 = arith.constant 1 : i32
        %scan3A_67 = scf.for %scan3A_78 = %scan3A_63 to %scan3A_65 step %scan3A_66 iter_args(%scan3A_79 = %scan3A_62) -> (i32)  : i32 {
          %mul3A_80 = arith.constant 16 : i32
          %mul3A_81 = arith.muli %scan3A_78, %mul3A_80 : i32
          %get3A = arith.index_cast %mul3A_81 : i32 to index
          %get3A_82 = tpu.vector_load %arg9[%get3A] {strides = array<i32>} : memref<2048xi32, #tpu.memory_space<vmem>>, vector<16xi32>,
          %mul3A_83 = arith.constant 3 : i32
          %mul3A_84 = vector.broadcast %mul3A_83 : i32 to vector<16xi32>
          %mul3A_85 = arith.muli %get3A_82, %mul3A_84 : vector<16xi32>
          %gather3A = tpu.vector_load_idx %arg7[%mul3A_85] : memref<3072xf32, #tpu.memory_space<vmem>>[vector<16xi32>], vector<16xf32>,
          %add3A_86 = arith.constant 1 : i32
          %add3A_87 = vector.broadcast %add3A_86 : i32 to vector<16xi32>
          %add3A_88 = arith.addi %mul3A_85, %add3A_87 : vector<16xi32>
          %gather3A_89 = tpu.vector_load_idx %arg7[%add3A_88] : memref<3072xf32, #tpu.memory_space<vmem>>[vector<16xi32>], vector<16xf32>,
          %add3A_90 = arith.constant 2 : i32
          %add3A_91 = vector.broadcast %add3A_90 : i32 to vector<16xi32>
          %add3A_92 = arith.addi %mul3A_85, %add3A_91 : vector<16xi32>
          %gather3A_93 = tpu.vector_load_idx %arg7[%add3A_92] : memref<3072xf32, #tpu.memory_space<vmem>>[vector<16xi32>], vector<16xf32>,
          %mul3A_94 = arith.constant 128 : i32
          %mul3A_95 = arith.muli %scan3A_58, %mul3A_94 : i32
          %add3A_96 = arith.addi %mul3A_95, %scan3A_78 : i32
          %mul3A_97 = arith.constant 3 : i32
          %mul3A_98 = arith.muli %add3A_96, %mul3A_97 : i32
          %add3A_99 = vector.broadcast %mul3A_98 : i32 to vector<16xi32>
          %add3A_100 = arith.addi %broadcast_in_dim3A_1, %add3A_99 : vector<16xi32>
          %gather3A_101 = tpu.vector_load_idx %arg8[%add3A_100] : memref<3072xf32, #tpu.memory_space<vmem>>[vector<16xi32>], vector<16xf32>,
          %add3A_102 = arith.constant 1 : i32
          %add3A_103 = vector.broadcast %add3A_102 : i32 to vector<16xi32>
          %add3A_104 = arith.addi %add3A_100, %add3A_103 : vector<16xi32>
          %gather3A_105 = tpu.vector_load_idx %arg8[%add3A_104] : memref<3072xf32, #tpu.memory_space<vmem>>[vector<16xi32>], vector<16xf32>,
          %add3A_106 = arith.constant 2 : i32
          %add3A_107 = vector.broadcast %add3A_106 : i32 to vector<16xi32>
          %add3A_108 = arith.addi %add3A_100, %add3A_107 : vector<16xi32>
          %gather3A_109 = tpu.vector_load_idx %arg8[%add3A_108] : memref<3072xf32, #tpu.memory_space<vmem>>[vector<16xi32>], vector<16xf32>,
          %mul3A_110 = arith.constant 3 : i32
          %mul3A_111 = vector.broadcast %mul3A_110 : i32 to vector<16xi32>
          %mul3A_112 = arith.muli %iota3A, %mul3A_111 : vector<16xi32>
          %mul3A_113 = arith.constant 48 : i32
          %mul3A_114 = arith.muli %scan3A_78, %mul3A_113 : i32
          %add3A_115 = vector.broadcast %mul3A_114 : i32 to vector<16xi32>
          %add3A_116 = arith.addi %mul3A_112, %add3A_115 : vector<16xi32>
          tpu.vector_store_idx %arg10[%add3A_116], %gather3A : memref<6144xf32, #tpu.memory_space<vmem>>[vector<16xi32>], vector<16xf32>,
          %add3A_117 = arith.constant 1 : i32
          %add3A_118 = vector.broadcast %add3A_117 : i32 to vector<16xi32>
          %add3A_119 = arith.addi %add3A_116, %add3A_118 : vector<16xi32>
          tpu.vector_store_idx %arg10[%add3A_119], %gather3A_89 : memref<6144xf32, #tpu.memory_space<vmem>>[vector<16xi32>], vector<16xf32>,
          %add3A_120 = arith.constant 2 : i32
          %add3A_121 = vector.broadcast %add3A_120 : i32 to vector<16xi32>
          %add3A_122 = arith.addi %add3A_116, %add3A_121 : vector<16xi32>
          tpu.vector_store_idx %arg10[%add3A_122], %gather3A_93 : memref<6144xf32, #tpu.memory_space<vmem>>[vector<16xi32>], vector<16xf32>,
          %mul3A_123 = arith.constant 6 : i32
          %mul3A_124 = vector.broadcast %mul3A_123 : i32 to vector<16xi32>
          %mul3A_125 = arith.muli %iota3A, %mul3A_124 : vector<16xi32>
          %mul3A_126 = arith.constant 96 : i32
          %mul3A_127 = arith.muli %scan3A_78, %mul3A_126 : i32
          %add3A_128 = vector.broadcast %mul3A_127 : i32 to vector<16xi32>
          %add3A_129 = arith.addi %mul3A_125, %add3A_128 : vector<16xi32>
          tpu.vector_store_idx %arg11[%add3A_129], %gather3A : memref<12288xf32, #tpu.memory_space<vmem>>[vector<16xi32>], vector<16xf32>,
          %add3A_130 = arith.constant 1 : i32
          %add3A_131 = vector.broadcast %add3A_130 : i32 to vector<16xi32>
          %add3A_132 = arith.addi %add3A_129, %add3A_131 : vector<16xi32>
          tpu.vector_store_idx %arg11[%add3A_132], %gather3A_89 : memref<12288xf32, #tpu.memory_space<vmem>>[vector<16xi32>], vector<16xf32>,
          %add3A_133 = arith.constant 2 : i32
          %add3A_134 = vector.broadcast %add3A_133 : i32 to vector<16xi32>
          %add3A_135 = arith.addi %add3A_129, %add3A_134 : vector<16xi32>
          tpu.vector_store_idx %arg11[%add3A_135], %gather3A_93 : memref<12288xf32, #tpu.memory_space<vmem>>[vector<16xi32>], vector<16xf32>,
          %add3A_136 = arith.constant 3 : i32
          %add3A_137 = vector.broadcast %add3A_136 : i32 to vector<16xi32>
          %add3A_138 = arith.addi %add3A_129, %add3A_137 : vector<16xi32>
          %sub3A_139 = arith.subf %gather3A, %gather3A_101 : vector<16xf32>
          tpu.vector_store_idx %arg11[%add3A_138], %sub3A_139 : memref<12288xf32, #tpu.memory_space<vmem>>[vector<16xi32>], vector<16xf32>,
          %add3A_140 = arith.constant 4 : i32
          %add3A_141 = vector.broadcast %add3A_140 : i32 to vector<16xi32>
          %add3A_142 = arith.addi %add3A_129, %add3A_141 : vector<16xi32>
          %sub3A_143 = arith.subf %gather3A_89, %gather3A_105 : vector<16xf32>
          tpu.vector_store_idx %arg11[%add3A_142], %sub3A_143 : memref<12288xf32, #tpu.memory_space<vmem>>[vector<16xi32>], vector<16xf32>,
          %add3A_144 = arith.constant 5 : i32
          %add3A_145 = vector.broadcast %add3A_144 : i32 to vector<16xi32>
          %add3A_146 = arith.addi %add3A_129, %add3A_145 : vector<16xi32>
          %sub3A_147 = arith.subf %gather3A_93, %gather3A_109 : vector<16xf32>
          tpu.vector_store_idx %arg11[%add3A_146], %sub3A_147 : memref<12288xf32, #tpu.memory_space<vmem>>[vector<16xi32>], vector<16xf32>,
          %scan3A_148 = arith.constant 0 : i32
          scf.yield %scan3A_148 : i32
        }
        %scan3A_68 = arith.constant 128 : i32
        %mul3A_69 = arith.constant 2048 : i32
        %mul3A_70 = arith.muli %scan3A_58, %mul3A_69 : i32
        %mul3A_71 = arith.constant 3 : i32
        %mul3A_72 = arith.muli %mul3A_70, %mul3A_71 : i32
        "tpu.region"() ({
          %run_scoped3A = tpu.sem_alloc : memref<!tpu.dma_semaphore, #tpu.memory_space<semaphore_mem>>
          %dma_start3A = tpu.memref_slice %arg5[%add3A_30, %mul3A_72] : memref<256x49152xf32, #tpu.memory_space<hbm>> -> memref<1x6144xf32, #tpu.memory_space<hbm>>
          %dma_start3A_78 = tpu.memref_squeeze %dma_start3A : memref<1x6144xf32, #tpu.memory_space<hbm>> -> memref<6144xf32, #tpu.memory_space<hbm>>
          %dma_start3A_79 = tpu.memref_slice %arg5[%add3A_30, %mul3A_72] : memref<256x49152xf32, #tpu.memory_space<hbm>> -> memref<1x6144xf32, #tpu.memory_space<hbm>>
          %dma_start3A_80 = tpu.memref_squeeze %dma_start3A_79 : memref<1x6144xf32, #tpu.memory_space<hbm>> -> memref<6144xf32, #tpu.memory_space<hbm>>
          tpu.enqueue_dma source(%arg10 : memref<6144xf32, #tpu.memory_space<vmem>>) target(%dma_start3A_80 : memref<6144xf32, #tpu.memory_space<hbm>>) target_semaphore(%run_scoped3A : memref<!tpu.dma_semaphore, #tpu.memory_space<semaphore_mem>>)
          %dma_wait3A = tpu.memref_slice %arg5[%add3A_30, %mul3A_72] : memref<256x49152xf32, #tpu.memory_space<hbm>> -> memref<1x6144xf32, #tpu.memory_space<hbm>>
          %dma_wait3A_81 = tpu.memref_squeeze %dma_wait3A : memref<1x6144xf32, #tpu.memory_space<hbm>> -> memref<6144xf32, #tpu.memory_space<hbm>>
          %dma_wait3A_82 = tpu.memref_slice %arg5[%add3A_30, %mul3A_72] : memref<256x49152xf32, #tpu.memory_space<hbm>> -> memref<1x6144xf32, #tpu.memory_space<hbm>>
          %dma_wait3A_83 = tpu.memref_squeeze %dma_wait3A_82 : memref<1x6144xf32, #tpu.memory_space<hbm>> -> memref<6144xf32, #tpu.memory_space<hbm>>
          tpu.wait_dma2 semaphore(%run_scoped3A : memref<!tpu.dma_semaphore, #tpu.memory_space<semaphore_mem>>) src(%arg10 : memref<6144xf32, #tpu.memory_space<vmem>>) dst(%dma_wait3A_83 : memref<6144xf32, #tpu.memory_space<hbm>>)
          tpu.yield
        }) : () -> ()
        %mul3A_73 = arith.constant 2048 : i32
        %mul3A_74 = arith.muli %scan3A_58, %mul3A_73 : i32
        %mul3A_75 = arith.constant 6 : i32
        %mul3A_76 = arith.muli %mul3A_74, %mul3A_75 : i32
        "tpu.region"() ({
          %run_scoped3A = tpu.sem_alloc : memref<!tpu.dma_semaphore, #tpu.memory_space<semaphore_mem>>
          %dma_start3A = tpu.memref_slice %arg6[%add3A_30, %mul3A_76] : memref<256x98304xf32, #tpu.memory_space<hbm>> -> memref<1x12288xf32, #tpu.memory_space<hbm>>
          %dma_start3A_78 = tpu.memref_squeeze %dma_start3A : memref<1x12288xf32, #tpu.memory_space<hbm>> -> memref<12288xf32, #tpu.memory_space<hbm>>
          %dma_start3A_79 = tpu.memref_slice %arg6[%add3A_30, %mul3A_76] : memref<256x98304xf32, #tpu.memory_space<hbm>> -> memref<1x12288xf32, #tpu.memory_space<hbm>>
          %dma_start3A_80 = tpu.memref_squeeze %dma_start3A_79 : memref<1x12288xf32, #tpu.memory_space<hbm>> -> memref<12288xf32, #tpu.memory_space<hbm>>
          tpu.enqueue_dma source(%arg11 : memref<12288xf32, #tpu.memory_space<vmem>>) target(%dma_start3A_80 : memref<12288xf32, #tpu.memory_space<hbm>>) target_semaphore(%run_scoped3A : memref<!tpu.dma_semaphore, #tpu.memory_space<semaphore_mem>>)
          %dma_wait3A = tpu.memref_slice %arg6[%add3A_30, %mul3A_76] : memref<256x98304xf32, #tpu.memory_space<hbm>> -> memref<1x12288xf32, #tpu.memory_space<hbm>>
          %dma_wait3A_81 = tpu.memref_squeeze %dma_wait3A : memref<1x12288xf32, #tpu.memory_space<hbm>> -> memref<12288xf32, #tpu.memory_space<hbm>>
          %dma_wait3A_82 = tpu.memref_slice %arg6[%add3A_30, %mul3A_76] : memref<256x98304xf32, #tpu.memory_space<hbm>> -> memref<1x12288xf32, #tpu.memory_space<hbm>>
          %dma_wait3A_83 = tpu.memref_squeeze %dma_wait3A_82 : memref<1x12288xf32, #tpu.memory_space<hbm>> -> memref<12288xf32, #tpu.memory_space<hbm>>
          tpu.wait_dma2 semaphore(%run_scoped3A : memref<!tpu.dma_semaphore, #tpu.memory_space<semaphore_mem>>) src(%arg11 : memref<12288xf32, #tpu.memory_space<vmem>>) dst(%dma_wait3A_83 : memref<12288xf32, #tpu.memory_space<hbm>>)
          tpu.yield
        }) : () -> ()
        %scan3A_77 = arith.constant 0 : i32
        scf.yield %scan3A_77 : i32
      }
      %scan3A_56 = arith.constant 8 : i32
      %scan3A_57 = arith.constant 0 : i32
      scf.yield %scan3A_57 : i32
    }
    %scan3A_25 = arith.constant 8 : i32
    return
  }
}

module attributes {stable_mosaic.version = 14 : i64} {
  func.func @_topk_body(%arg0: i32, %arg1: i32, %arg2: memref<1x1x1024x3xf32, #tpu.memory_space<vmem>>, %arg3: memref<1x1x3x1024xf32, #tpu.memory_space<vmem>>, %arg4: memref<1x1x1024x16xf32, #tpu.memory_space<vmem>>, %arg5: memref<1x1x1024x16xi32, #tpu.memory_space<vmem>>, %arg6: memref<1x1x1024x3xf32, #tpu.memory_space<vmem>>, %arg7: memref<8x1024x3xf32, #tpu.memory_space<vmem>>) attributes {dimension_semantics = [#tpu.dimension_semantics<arbitrary>, #tpu.dimension_semantics<arbitrary>], iteration_bounds = array<i64: 32, 8>, scalar_prefetch = 0 : i64, scratch_operands = 1 : i64, tpu.core_type = #tpu.core_type<tc>, window_params = [{transform_indices = @transform_0, window_bounds = array<i64: 1, 1, 1024, 3>}, {transform_indices = @transform_1, window_bounds = array<i64: 1, 1, 3, 1024>}, {transform_indices = @transform_2, window_bounds = array<i64: 1, 1, 1024, 16>}, {transform_indices = @transform_3, window_bounds = array<i64: 1, 1, 1024, 16>}, {transform_indices = @transform_4, window_bounds = array<i64: 1, 1, 1024, 3>}]} {
    %get3A = arith.constant 0 : index
    %get3A_0 = arith.constant 0 : index
    %get3A_1 = arith.constant 0 : index
    %get3A_2 = arith.constant 0 : index
    %get3A_3 = vector.load %arg2[%get3A, %get3A_0, %get3A_1, %get3A_2] : memref<1x1x1024x3xf32, #tpu.memory_space<vmem>>, vector<1x1x1024x3xf32>
    %get3A_4 = vector.shape_cast %get3A_3 : vector<1x1x1024x3xf32> to vector<1024x3xf32>
    %get3A_5 = arith.constant 0 : index
    %get3A_6 = arith.constant 0 : index
    %get3A_7 = arith.constant 0 : index
    %get3A_8 = arith.constant 0 : index
    %get3A_9 = vector.load %arg3[%get3A_5, %get3A_6, %get3A_7, %get3A_8] : memref<1x1x3x1024xf32, #tpu.memory_space<vmem>>, vector<1x1x3x1024xf32>
    %get3A_10 = vector.shape_cast %get3A_9 : vector<1x1x3x1024xf32> to vector<3x1024xf32>
    %eq3A = arith.constant 0 : i32
    %eq3A_11 = arith.cmpi eq, %arg0, %eq3A : i32
    %convert_element_type3A = arith.extui %eq3A_11 : i1 to i32
    %cond3A = arith.constant 0 : i32
    %cond3A_12 = arith.cmpi ne, %convert_element_type3A, %cond3A : i32
    scf.if %cond3A_12 {
      %swap3A_331 = arith.index_cast %arg1 : i32 to index
      %swap3A_332 = arith.constant 0 : index
      %swap3A_333 = arith.constant 0 : index
      %swap3A_334 = vector.load %arg7[%swap3A_331, %swap3A_332, %swap3A_333] : memref<8x1024x3xf32, #tpu.memory_space<vmem>>, vector<1x1024x3xf32>
      %swap3A_335 = vector.shape_cast %swap3A_334 : vector<1x1024x3xf32> to vector<1024x3xf32>
      %swap3A_336 = vector.shape_cast %get3A_4 : vector<1024x3xf32> to vector<1x1024x3xf32>
      tpu.vector_store %arg7[%swap3A_331, %swap3A_332, %swap3A_333], %swap3A_336 {strides = array<i32>} : memref<8x1024x3xf32, #tpu.memory_space<vmem>>, vector<1x1024x3xf32>,
    } else {
    }
    %get3A_13 = arith.index_cast %arg1 : i32 to index
    %get3A_14 = arith.constant 0 : index
    %get3A_15 = arith.constant 0 : index
    %get3A_16 = vector.load %arg7[%get3A_13, %get3A_14, %get3A_15] : memref<8x1024x3xf32, #tpu.memory_space<vmem>>, vector<1x1024x3xf32>
    %get3A_17 = vector.shape_cast %get3A_16 : vector<1x1024x3xf32> to vector<1024x3xf32>
    %add3A = arith.addf %get3A_17, %get3A_17 : vector<1024x3xf32>
    %dot_general3A = arith.constant dense<0.000000e+00> : vector<1024x1024xf32>
    %dot_general3A_18 = tpu.matmul %add3A, %get3A_4, %dot_general3A {dimension_numbers = #tpu.dot_dimension_numbers<[1], [1], [0], [0], [0, 0, 1, 0], [], []>, transpose_lhs_hint = false} : vector<1024x3xf32>, vector<1024x3xf32>, vector<1024x1024xf32> -> vector<1024x1024xf32>
    %mul3A = arith.mulf %get3A_17, %get3A_17 : vector<1024x3xf32>
    %reduce_sum3A = arith.constant dense<0.000000e+00> : vector<1024xf32>
    %reduce_sum3A_19 = vector.multi_reduction <add>, %mul3A, %reduce_sum3A [1] : vector<1024x3xf32> to vector<1024xf32>
    %broadcast_in_dim3A = vector.shape_cast %reduce_sum3A_19 : vector<1024xf32> to vector<1024x1xf32>
    %mul3A_20 = arith.mulf %get3A_10, %get3A_10 : vector<3x1024xf32>
    %reduce_sum3A_21 = arith.constant dense<0.000000e+00> : vector<1024xf32>
    %reduce_sum3A_22 = vector.multi_reduction <add>, %mul3A_20, %reduce_sum3A_21 [0] : vector<3x1024xf32> to vector<1024xf32>
    %broadcast_in_dim3A_23 = vector.shape_cast %reduce_sum3A_22 : vector<1024xf32> to vector<1x1024xf32>
    %add3A_24 = vector.broadcast %broadcast_in_dim3A : vector<1024x1xf32> to vector<1024x1024xf32>
    %add3A_25 = vector.broadcast %broadcast_in_dim3A_23 : vector<1x1024xf32> to vector<1024x1024xf32>
    %add3A_26 = arith.addf %add3A_24, %add3A_25 : vector<1024x1024xf32>
    %sub3A = arith.subf %add3A_26, %dot_general3A_18 : vector<1024x1024xf32>
    %iota3A = tpu.iota {dimensions = array<i32: 1>} : vector<1024x1024xi32>
    %convert_element_type3A_27 = arith.sitofp %iota3A : vector<1024x1024xi32> to vector<1024x1024xf32>
    %slice3A = vector.extract_strided_slice %get3A_10 {offsets = [0, 0], sizes = [1, 1024], strides = [1, 1]} : vector<3x1024xf32> to vector<1x1024xf32>
    %slice3A_28 = vector.extract_strided_slice %get3A_10 {offsets = [1, 0], sizes = [1, 1024], strides = [1, 1]} : vector<3x1024xf32> to vector<1x1024xf32>
    %slice3A_29 = vector.extract_strided_slice %get3A_10 {offsets = [2, 0], sizes = [1, 1024], strides = [1, 1]} : vector<3x1024xf32> to vector<1x1024xf32>
    %reduce_min3A = arith.constant dense<0x7F800000> : vector<1024xf32>
    %reduce_min3A_30 = vector.multi_reduction <minimumf>, %sub3A, %reduce_min3A [1] : vector<1024x1024xf32> to vector<1024xf32>
    %broadcast_in_dim3A_31 = vector.shape_cast %reduce_min3A_30 : vector<1024xf32> to vector<1024x1xf32>
    %eq3A_32 = vector.broadcast %broadcast_in_dim3A_31 : vector<1024x1xf32> to vector<1024x1024xf32>
    %eq3A_33 = arith.cmpf oeq, %sub3A, %eq3A_32 : vector<1024x1024xf32>
    %jit3A = arith.constant 1.024000e+03 : f32
    %broadcast_in_dim3A_34 = vector.broadcast %jit3A : f32 to vector<1024x1024xf32>
    %select_n3A = arith.select %eq3A_33, %convert_element_type3A_27, %broadcast_in_dim3A_34 : vector<1024x1024xi1>, vector<1024x1024xf32>
    %reduce_min3A_35 = arith.constant dense<0x7F800000> : vector<1024xf32>
    %reduce_min3A_36 = vector.multi_reduction <minimumf>, %select_n3A, %reduce_min3A_35 [1] : vector<1024x1024xf32> to vector<1024xf32>
    %broadcast_in_dim3A_37 = vector.shape_cast %reduce_min3A_36 : vector<1024xf32> to vector<1024x1xf32>
    %eq3A_38 = vector.broadcast %broadcast_in_dim3A_37 : vector<1024x1xf32> to vector<1024x1024xf32>
    %eq3A_39 = arith.cmpf oeq, %convert_element_type3A_27, %eq3A_38 : vector<1024x1024xf32>
    %jit3A_40 = arith.constant 0x7F800000 : f32
    %broadcast_in_dim3A_41 = vector.shape_cast %slice3A : vector<1x1024xf32> to vector<1x1024xf32>
    %broadcast_in_dim3A_42 = vector.broadcast %broadcast_in_dim3A_41 : vector<1x1024xf32> to vector<1024x1024xf32>
    %broadcast_in_dim3A_43 = vector.broadcast %jit3A_40 : f32 to vector<1024x1024xf32>
    %select_n3A_44 = arith.select %eq3A_39, %broadcast_in_dim3A_42, %broadcast_in_dim3A_43 : vector<1024x1024xi1>, vector<1024x1024xf32>
    %reduce_min3A_45 = arith.constant dense<0x7F800000> : vector<1024xf32>
    %reduce_min3A_46 = vector.multi_reduction <minimumf>, %select_n3A_44, %reduce_min3A_45 [1] : vector<1024x1024xf32> to vector<1024xf32>
    %broadcast_in_dim3A_47 = vector.shape_cast %reduce_min3A_46 : vector<1024xf32> to vector<1024x1xf32>
    %jit3A_48 = arith.constant 0x7F800000 : f32
    %broadcast_in_dim3A_49 = vector.shape_cast %slice3A_28 : vector<1x1024xf32> to vector<1x1024xf32>
    %broadcast_in_dim3A_50 = vector.broadcast %broadcast_in_dim3A_49 : vector<1x1024xf32> to vector<1024x1024xf32>
    %broadcast_in_dim3A_51 = vector.broadcast %jit3A_48 : f32 to vector<1024x1024xf32>
    %select_n3A_52 = arith.select %eq3A_39, %broadcast_in_dim3A_50, %broadcast_in_dim3A_51 : vector<1024x1024xi1>, vector<1024x1024xf32>
    %reduce_min3A_53 = arith.constant dense<0x7F800000> : vector<1024xf32>
    %reduce_min3A_54 = vector.multi_reduction <minimumf>, %select_n3A_52, %reduce_min3A_53 [1] : vector<1024x1024xf32> to vector<1024xf32>
    %broadcast_in_dim3A_55 = vector.shape_cast %reduce_min3A_54 : vector<1024xf32> to vector<1024x1xf32>
    %jit3A_56 = arith.constant 0x7F800000 : f32
    %broadcast_in_dim3A_57 = vector.shape_cast %slice3A_29 : vector<1x1024xf32> to vector<1x1024xf32>
    %broadcast_in_dim3A_58 = vector.broadcast %broadcast_in_dim3A_57 : vector<1x1024xf32> to vector<1024x1024xf32>
    %broadcast_in_dim3A_59 = vector.broadcast %jit3A_56 : f32 to vector<1024x1024xf32>
    %select_n3A_60 = arith.select %eq3A_39, %broadcast_in_dim3A_58, %broadcast_in_dim3A_59 : vector<1024x1024xi1>, vector<1024x1024xf32>
    %reduce_min3A_61 = arith.constant dense<0x7F800000> : vector<1024xf32>
    %reduce_min3A_62 = vector.multi_reduction <minimumf>, %select_n3A_60, %reduce_min3A_61 [1] : vector<1024x1024xf32> to vector<1024xf32>
    %broadcast_in_dim3A_63 = vector.shape_cast %reduce_min3A_62 : vector<1024xf32> to vector<1024x1xf32>
    %concatenate3A = tpu.concatenate %broadcast_in_dim3A_47, %broadcast_in_dim3A_55, %broadcast_in_dim3A_63 in 1 : vector<1024x1xf32>, vector<1024x1xf32>, vector<1024x1xf32> -> vector<1024x3xf32>
    %jit3A_64 = arith.constant 0x7F800000 : f32
    %broadcast_in_dim3A_65 = vector.broadcast %jit3A_64 : f32 to vector<1024x1024xf32>
    %select_n3A_66 = arith.select %eq3A_39, %broadcast_in_dim3A_65, %sub3A : vector<1024x1024xi1>, vector<1024x1024xf32>
    %reduce_min3A_67 = arith.constant dense<0x7F800000> : vector<1024xf32>
    %reduce_min3A_68 = vector.multi_reduction <minimumf>, %select_n3A_66, %reduce_min3A_67 [1] : vector<1024x1024xf32> to vector<1024xf32>
    %broadcast_in_dim3A_69 = vector.shape_cast %reduce_min3A_68 : vector<1024xf32> to vector<1024x1xf32>
    %eq3A_70 = vector.broadcast %broadcast_in_dim3A_69 : vector<1024x1xf32> to vector<1024x1024xf32>
    %eq3A_71 = arith.cmpf oeq, %select_n3A_66, %eq3A_70 : vector<1024x1024xf32>
    %jit3A_72 = arith.constant 1.024000e+03 : f32
    %broadcast_in_dim3A_73 = vector.broadcast %jit3A_72 : f32 to vector<1024x1024xf32>
    %select_n3A_74 = arith.select %eq3A_71, %convert_element_type3A_27, %broadcast_in_dim3A_73 : vector<1024x1024xi1>, vector<1024x1024xf32>
    %reduce_min3A_75 = arith.constant dense<0x7F800000> : vector<1024xf32>
    %reduce_min3A_76 = vector.multi_reduction <minimumf>, %select_n3A_74, %reduce_min3A_75 [1] : vector<1024x1024xf32> to vector<1024xf32>
    %broadcast_in_dim3A_77 = vector.shape_cast %reduce_min3A_76 : vector<1024xf32> to vector<1024x1xf32>
    %eq3A_78 = vector.broadcast %broadcast_in_dim3A_77 : vector<1024x1xf32> to vector<1024x1024xf32>
    %eq3A_79 = arith.cmpf oeq, %convert_element_type3A_27, %eq3A_78 : vector<1024x1024xf32>
    %jit3A_80 = arith.constant 0x7F800000 : f32
    %broadcast_in_dim3A_81 = vector.broadcast %jit3A_80 : f32 to vector<1024x1024xf32>
    %select_n3A_82 = arith.select %eq3A_79, %broadcast_in_dim3A_81, %select_n3A_66 : vector<1024x1024xi1>, vector<1024x1024xf32>
    %reduce_min3A_83 = arith.constant dense<0x7F800000> : vector<1024xf32>
    %reduce_min3A_84 = vector.multi_reduction <minimumf>, %select_n3A_82, %reduce_min3A_83 [1] : vector<1024x1024xf32> to vector<1024xf32>
    %broadcast_in_dim3A_85 = vector.shape_cast %reduce_min3A_84 : vector<1024xf32> to vector<1024x1xf32>
    %eq3A_86 = vector.broadcast %broadcast_in_dim3A_85 : vector<1024x1xf32> to vector<1024x1024xf32>
    %eq3A_87 = arith.cmpf oeq, %select_n3A_82, %eq3A_86 : vector<1024x1024xf32>
    %jit3A_88 = arith.constant 1.024000e+03 : f32
    %broadcast_in_dim3A_89 = vector.broadcast %jit3A_88 : f32 to vector<1024x1024xf32>
    %select_n3A_90 = arith.select %eq3A_87, %convert_element_type3A_27, %broadcast_in_dim3A_89 : vector<1024x1024xi1>, vector<1024x1024xf32>
    %reduce_min3A_91 = arith.constant dense<0x7F800000> : vector<1024xf32>
    %reduce_min3A_92 = vector.multi_reduction <minimumf>, %select_n3A_90, %reduce_min3A_91 [1] : vector<1024x1024xf32> to vector<1024xf32>
    %broadcast_in_dim3A_93 = vector.shape_cast %reduce_min3A_92 : vector<1024xf32> to vector<1024x1xf32>
    %eq3A_94 = vector.broadcast %broadcast_in_dim3A_93 : vector<1024x1xf32> to vector<1024x1024xf32>
    %eq3A_95 = arith.cmpf oeq, %convert_element_type3A_27, %eq3A_94 : vector<1024x1024xf32>
    %jit3A_96 = arith.constant 0x7F800000 : f32
    %broadcast_in_dim3A_97 = vector.broadcast %jit3A_96 : f32 to vector<1024x1024xf32>
    %select_n3A_98 = arith.select %eq3A_95, %broadcast_in_dim3A_97, %select_n3A_82 : vector<1024x1024xi1>, vector<1024x1024xf32>
    %reduce_min3A_99 = arith.constant dense<0x7F800000> : vector<1024xf32>
    %reduce_min3A_100 = vector.multi_reduction <minimumf>, %select_n3A_98, %reduce_min3A_99 [1] : vector<1024x1024xf32> to vector<1024xf32>
    %broadcast_in_dim3A_101 = vector.shape_cast %reduce_min3A_100 : vector<1024xf32> to vector<1024x1xf32>
    %eq3A_102 = vector.broadcast %broadcast_in_dim3A_101 : vector<1024x1xf32> to vector<1024x1024xf32>
    %eq3A_103 = arith.cmpf oeq, %select_n3A_98, %eq3A_102 : vector<1024x1024xf32>
    %jit3A_104 = arith.constant 1.024000e+03 : f32
    %broadcast_in_dim3A_105 = vector.broadcast %jit3A_104 : f32 to vector<1024x1024xf32>
    %select_n3A_106 = arith.select %eq3A_103, %convert_element_type3A_27, %broadcast_in_dim3A_105 : vector<1024x1024xi1>, vector<1024x1024xf32>
    %reduce_min3A_107 = arith.constant dense<0x7F800000> : vector<1024xf32>
    %reduce_min3A_108 = vector.multi_reduction <minimumf>, %select_n3A_106, %reduce_min3A_107 [1] : vector<1024x1024xf32> to vector<1024xf32>
    %broadcast_in_dim3A_109 = vector.shape_cast %reduce_min3A_108 : vector<1024xf32> to vector<1024x1xf32>
    %eq3A_110 = vector.broadcast %broadcast_in_dim3A_109 : vector<1024x1xf32> to vector<1024x1024xf32>
    %eq3A_111 = arith.cmpf oeq, %convert_element_type3A_27, %eq3A_110 : vector<1024x1024xf32>
    %jit3A_112 = arith.constant 0x7F800000 : f32
    %broadcast_in_dim3A_113 = vector.broadcast %jit3A_112 : f32 to vector<1024x1024xf32>
    %select_n3A_114 = arith.select %eq3A_111, %broadcast_in_dim3A_113, %select_n3A_98 : vector<1024x1024xi1>, vector<1024x1024xf32>
    %reduce_min3A_115 = arith.constant dense<0x7F800000> : vector<1024xf32>
    %reduce_min3A_116 = vector.multi_reduction <minimumf>, %select_n3A_114, %reduce_min3A_115 [1] : vector<1024x1024xf32> to vector<1024xf32>
    %broadcast_in_dim3A_117 = vector.shape_cast %reduce_min3A_116 : vector<1024xf32> to vector<1024x1xf32>
    %eq3A_118 = vector.broadcast %broadcast_in_dim3A_117 : vector<1024x1xf32> to vector<1024x1024xf32>
    %eq3A_119 = arith.cmpf oeq, %select_n3A_114, %eq3A_118 : vector<1024x1024xf32>
    %jit3A_120 = arith.constant 1.024000e+03 : f32
    %broadcast_in_dim3A_121 = vector.broadcast %jit3A_120 : f32 to vector<1024x1024xf32>
    %select_n3A_122 = arith.select %eq3A_119, %convert_element_type3A_27, %broadcast_in_dim3A_121 : vector<1024x1024xi1>, vector<1024x1024xf32>
    %reduce_min3A_123 = arith.constant dense<0x7F800000> : vector<1024xf32>
    %reduce_min3A_124 = vector.multi_reduction <minimumf>, %select_n3A_122, %reduce_min3A_123 [1] : vector<1024x1024xf32> to vector<1024xf32>
    %broadcast_in_dim3A_125 = vector.shape_cast %reduce_min3A_124 : vector<1024xf32> to vector<1024x1xf32>
    %eq3A_126 = vector.broadcast %broadcast_in_dim3A_125 : vector<1024x1xf32> to vector<1024x1024xf32>
    %eq3A_127 = arith.cmpf oeq, %convert_element_type3A_27, %eq3A_126 : vector<1024x1024xf32>
    %jit3A_128 = arith.constant 0x7F800000 : f32
    %broadcast_in_dim3A_129 = vector.broadcast %jit3A_128 : f32 to vector<1024x1024xf32>
    %select_n3A_130 = arith.select %eq3A_127, %broadcast_in_dim3A_129, %select_n3A_114 : vector<1024x1024xi1>, vector<1024x1024xf32>
    %reduce_min3A_131 = arith.constant dense<0x7F800000> : vector<1024xf32>
    %reduce_min3A_132 = vector.multi_reduction <minimumf>, %select_n3A_130, %reduce_min3A_131 [1] : vector<1024x1024xf32> to vector<1024xf32>
    %broadcast_in_dim3A_133 = vector.shape_cast %reduce_min3A_132 : vector<1024xf32> to vector<1024x1xf32>
    %eq3A_134 = vector.broadcast %broadcast_in_dim3A_133 : vector<1024x1xf32> to vector<1024x1024xf32>
    %eq3A_135 = arith.cmpf oeq, %select_n3A_130, %eq3A_134 : vector<1024x1024xf32>
    %jit3A_136 = arith.constant 1.024000e+03 : f32
    %broadcast_in_dim3A_137 = vector.broadcast %jit3A_136 : f32 to vector<1024x1024xf32>
    %select_n3A_138 = arith.select %eq3A_135, %convert_element_type3A_27, %broadcast_in_dim3A_137 : vector<1024x1024xi1>, vector<1024x1024xf32>
    %reduce_min3A_139 = arith.constant dense<0x7F800000> : vector<1024xf32>
    %reduce_min3A_140 = vector.multi_reduction <minimumf>, %select_n3A_138, %reduce_min3A_139 [1] : vector<1024x1024xf32> to vector<1024xf32>
    %broadcast_in_dim3A_141 = vector.shape_cast %reduce_min3A_140 : vector<1024xf32> to vector<1024x1xf32>
    %eq3A_142 = vector.broadcast %broadcast_in_dim3A_141 : vector<1024x1xf32> to vector<1024x1024xf32>
    %eq3A_143 = arith.cmpf oeq, %convert_element_type3A_27, %eq3A_142 : vector<1024x1024xf32>
    %jit3A_144 = arith.constant 0x7F800000 : f32
    %broadcast_in_dim3A_145 = vector.broadcast %jit3A_144 : f32 to vector<1024x1024xf32>
    %select_n3A_146 = arith.select %eq3A_143, %broadcast_in_dim3A_145, %select_n3A_130 : vector<1024x1024xi1>, vector<1024x1024xf32>
    %reduce_min3A_147 = arith.constant dense<0x7F800000> : vector<1024xf32>
    %reduce_min3A_148 = vector.multi_reduction <minimumf>, %select_n3A_146, %reduce_min3A_147 [1] : vector<1024x1024xf32> to vector<1024xf32>
    %broadcast_in_dim3A_149 = vector.shape_cast %reduce_min3A_148 : vector<1024xf32> to vector<1024x1xf32>
    %eq3A_150 = vector.broadcast %broadcast_in_dim3A_149 : vector<1024x1xf32> to vector<1024x1024xf32>
    %eq3A_151 = arith.cmpf oeq, %select_n3A_146, %eq3A_150 : vector<1024x1024xf32>
    %jit3A_152 = arith.constant 1.024000e+03 : f32
    %broadcast_in_dim3A_153 = vector.broadcast %jit3A_152 : f32 to vector<1024x1024xf32>
    %select_n3A_154 = arith.select %eq3A_151, %convert_element_type3A_27, %broadcast_in_dim3A_153 : vector<1024x1024xi1>, vector<1024x1024xf32>
    %reduce_min3A_155 = arith.constant dense<0x7F800000> : vector<1024xf32>
    %reduce_min3A_156 = vector.multi_reduction <minimumf>, %select_n3A_154, %reduce_min3A_155 [1] : vector<1024x1024xf32> to vector<1024xf32>
    %broadcast_in_dim3A_157 = vector.shape_cast %reduce_min3A_156 : vector<1024xf32> to vector<1024x1xf32>
    %eq3A_158 = vector.broadcast %broadcast_in_dim3A_157 : vector<1024x1xf32> to vector<1024x1024xf32>
    %eq3A_159 = arith.cmpf oeq, %convert_element_type3A_27, %eq3A_158 : vector<1024x1024xf32>
    %jit3A_160 = arith.constant 0x7F800000 : f32
    %broadcast_in_dim3A_161 = vector.broadcast %jit3A_160 : f32 to vector<1024x1024xf32>
    %select_n3A_162 = arith.select %eq3A_159, %broadcast_in_dim3A_161, %select_n3A_146 : vector<1024x1024xi1>, vector<1024x1024xf32>
    %reduce_min3A_163 = arith.constant dense<0x7F800000> : vector<1024xf32>
    %reduce_min3A_164 = vector.multi_reduction <minimumf>, %select_n3A_162, %reduce_min3A_163 [1] : vector<1024x1024xf32> to vector<1024xf32>
    %broadcast_in_dim3A_165 = vector.shape_cast %reduce_min3A_164 : vector<1024xf32> to vector<1024x1xf32>
    %eq3A_166 = vector.broadcast %broadcast_in_dim3A_165 : vector<1024x1xf32> to vector<1024x1024xf32>
    %eq3A_167 = arith.cmpf oeq, %select_n3A_162, %eq3A_166 : vector<1024x1024xf32>
    %jit3A_168 = arith.constant 1.024000e+03 : f32
    %broadcast_in_dim3A_169 = vector.broadcast %jit3A_168 : f32 to vector<1024x1024xf32>
    %select_n3A_170 = arith.select %eq3A_167, %convert_element_type3A_27, %broadcast_in_dim3A_169 : vector<1024x1024xi1>, vector<1024x1024xf32>
    %reduce_min3A_171 = arith.constant dense<0x7F800000> : vector<1024xf32>
    %reduce_min3A_172 = vector.multi_reduction <minimumf>, %select_n3A_170, %reduce_min3A_171 [1] : vector<1024x1024xf32> to vector<1024xf32>
    %broadcast_in_dim3A_173 = vector.shape_cast %reduce_min3A_172 : vector<1024xf32> to vector<1024x1xf32>
    %eq3A_174 = vector.broadcast %broadcast_in_dim3A_173 : vector<1024x1xf32> to vector<1024x1024xf32>
    %eq3A_175 = arith.cmpf oeq, %convert_element_type3A_27, %eq3A_174 : vector<1024x1024xf32>
    %jit3A_176 = arith.constant 0x7F800000 : f32
    %broadcast_in_dim3A_177 = vector.broadcast %jit3A_176 : f32 to vector<1024x1024xf32>
    %select_n3A_178 = arith.select %eq3A_175, %broadcast_in_dim3A_177, %select_n3A_162 : vector<1024x1024xi1>, vector<1024x1024xf32>
    %reduce_min3A_179 = arith.constant dense<0x7F800000> : vector<1024xf32>
    %reduce_min3A_180 = vector.multi_reduction <minimumf>, %select_n3A_178, %reduce_min3A_179 [1] : vector<1024x1024xf32> to vector<1024xf32>
    %broadcast_in_dim3A_181 = vector.shape_cast %reduce_min3A_180 : vector<1024xf32> to vector<1024x1xf32>
    %eq3A_182 = vector.broadcast %broadcast_in_dim3A_181 : vector<1024x1xf32> to vector<1024x1024xf32>
    %eq3A_183 = arith.cmpf oeq, %select_n3A_178, %eq3A_182 : vector<1024x1024xf32>
    %jit3A_184 = arith.constant 1.024000e+03 : f32
    %broadcast_in_dim3A_185 = vector.broadcast %jit3A_184 : f32 to vector<1024x1024xf32>
    %select_n3A_186 = arith.select %eq3A_183, %convert_element_type3A_27, %broadcast_in_dim3A_185 : vector<1024x1024xi1>, vector<1024x1024xf32>
    %reduce_min3A_187 = arith.constant dense<0x7F800000> : vector<1024xf32>
    %reduce_min3A_188 = vector.multi_reduction <minimumf>, %select_n3A_186, %reduce_min3A_187 [1] : vector<1024x1024xf32> to vector<1024xf32>
    %broadcast_in_dim3A_189 = vector.shape_cast %reduce_min3A_188 : vector<1024xf32> to vector<1024x1xf32>
    %eq3A_190 = vector.broadcast %broadcast_in_dim3A_189 : vector<1024x1xf32> to vector<1024x1024xf32>
    %eq3A_191 = arith.cmpf oeq, %convert_element_type3A_27, %eq3A_190 : vector<1024x1024xf32>
    %jit3A_192 = arith.constant 0x7F800000 : f32
    %broadcast_in_dim3A_193 = vector.broadcast %jit3A_192 : f32 to vector<1024x1024xf32>
    %select_n3A_194 = arith.select %eq3A_191, %broadcast_in_dim3A_193, %select_n3A_178 : vector<1024x1024xi1>, vector<1024x1024xf32>
    %reduce_min3A_195 = arith.constant dense<0x7F800000> : vector<1024xf32>
    %reduce_min3A_196 = vector.multi_reduction <minimumf>, %select_n3A_194, %reduce_min3A_195 [1] : vector<1024x1024xf32> to vector<1024xf32>
    %broadcast_in_dim3A_197 = vector.shape_cast %reduce_min3A_196 : vector<1024xf32> to vector<1024x1xf32>
    %eq3A_198 = vector.broadcast %broadcast_in_dim3A_197 : vector<1024x1xf32> to vector<1024x1024xf32>
    %eq3A_199 = arith.cmpf oeq, %select_n3A_194, %eq3A_198 : vector<1024x1024xf32>
    %jit3A_200 = arith.constant 1.024000e+03 : f32
    %broadcast_in_dim3A_201 = vector.broadcast %jit3A_200 : f32 to vector<1024x1024xf32>
    %select_n3A_202 = arith.select %eq3A_199, %convert_element_type3A_27, %broadcast_in_dim3A_201 : vector<1024x1024xi1>, vector<1024x1024xf32>
    %reduce_min3A_203 = arith.constant dense<0x7F800000> : vector<1024xf32>
    %reduce_min3A_204 = vector.multi_reduction <minimumf>, %select_n3A_202, %reduce_min3A_203 [1] : vector<1024x1024xf32> to vector<1024xf32>
    %broadcast_in_dim3A_205 = vector.shape_cast %reduce_min3A_204 : vector<1024xf32> to vector<1024x1xf32>
    %eq3A_206 = vector.broadcast %broadcast_in_dim3A_205 : vector<1024x1xf32> to vector<1024x1024xf32>
    %eq3A_207 = arith.cmpf oeq, %convert_element_type3A_27, %eq3A_206 : vector<1024x1024xf32>
    %jit3A_208 = arith.constant 0x7F800000 : f32
    %broadcast_in_dim3A_209 = vector.broadcast %jit3A_208 : f32 to vector<1024x1024xf32>
    %select_n3A_210 = arith.select %eq3A_207, %broadcast_in_dim3A_209, %select_n3A_194 : vector<1024x1024xi1>, vector<1024x1024xf32>
    %reduce_min3A_211 = arith.constant dense<0x7F800000> : vector<1024xf32>
    %reduce_min3A_212 = vector.multi_reduction <minimumf>, %select_n3A_210, %reduce_min3A_211 [1] : vector<1024x1024xf32> to vector<1024xf32>
    %broadcast_in_dim3A_213 = vector.shape_cast %reduce_min3A_212 : vector<1024xf32> to vector<1024x1xf32>
    %eq3A_214 = vector.broadcast %broadcast_in_dim3A_213 : vector<1024x1xf32> to vector<1024x1024xf32>
    %eq3A_215 = arith.cmpf oeq, %select_n3A_210, %eq3A_214 : vector<1024x1024xf32>
    %jit3A_216 = arith.constant 1.024000e+03 : f32
    %broadcast_in_dim3A_217 = vector.broadcast %jit3A_216 : f32 to vector<1024x1024xf32>
    %select_n3A_218 = arith.select %eq3A_215, %convert_element_type3A_27, %broadcast_in_dim3A_217 : vector<1024x1024xi1>, vector<1024x1024xf32>
    %reduce_min3A_219 = arith.constant dense<0x7F800000> : vector<1024xf32>
    %reduce_min3A_220 = vector.multi_reduction <minimumf>, %select_n3A_218, %reduce_min3A_219 [1] : vector<1024x1024xf32> to vector<1024xf32>
    %broadcast_in_dim3A_221 = vector.shape_cast %reduce_min3A_220 : vector<1024xf32> to vector<1024x1xf32>
    %eq3A_222 = vector.broadcast %broadcast_in_dim3A_221 : vector<1024x1xf32> to vector<1024x1024xf32>
    %eq3A_223 = arith.cmpf oeq, %convert_element_type3A_27, %eq3A_222 : vector<1024x1024xf32>
    %jit3A_224 = arith.constant 0x7F800000 : f32
    %broadcast_in_dim3A_225 = vector.broadcast %jit3A_224 : f32 to vector<1024x1024xf32>
    %select_n3A_226 = arith.select %eq3A_223, %broadcast_in_dim3A_225, %select_n3A_210 : vector<1024x1024xi1>, vector<1024x1024xf32>
    %reduce_min3A_227 = arith.constant dense<0x7F800000> : vector<1024xf32>
    %reduce_min3A_228 = vector.multi_reduction <minimumf>, %select_n3A_226, %reduce_min3A_227 [1] : vector<1024x1024xf32> to vector<1024xf32>
    %broadcast_in_dim3A_229 = vector.shape_cast %reduce_min3A_228 : vector<1024xf32> to vector<1024x1xf32>
    %eq3A_230 = vector.broadcast %broadcast_in_dim3A_229 : vector<1024x1xf32> to vector<1024x1024xf32>
    %eq3A_231 = arith.cmpf oeq, %select_n3A_226, %eq3A_230 : vector<1024x1024xf32>
    %jit3A_232 = arith.constant 1.024000e+03 : f32
    %broadcast_in_dim3A_233 = vector.broadcast %jit3A_232 : f32 to vector<1024x1024xf32>
    %select_n3A_234 = arith.select %eq3A_231, %convert_element_type3A_27, %broadcast_in_dim3A_233 : vector<1024x1024xi1>, vector<1024x1024xf32>
    %reduce_min3A_235 = arith.constant dense<0x7F800000> : vector<1024xf32>
    %reduce_min3A_236 = vector.multi_reduction <minimumf>, %select_n3A_234, %reduce_min3A_235 [1] : vector<1024x1024xf32> to vector<1024xf32>
    %broadcast_in_dim3A_237 = vector.shape_cast %reduce_min3A_236 : vector<1024xf32> to vector<1024x1xf32>
    %eq3A_238 = vector.broadcast %broadcast_in_dim3A_237 : vector<1024x1xf32> to vector<1024x1024xf32>
    %eq3A_239 = arith.cmpf oeq, %convert_element_type3A_27, %eq3A_238 : vector<1024x1024xf32>
    %jit3A_240 = arith.constant 0x7F800000 : f32
    %broadcast_in_dim3A_241 = vector.broadcast %jit3A_240 : f32 to vector<1024x1024xf32>
    %select_n3A_242 = arith.select %eq3A_239, %broadcast_in_dim3A_241, %select_n3A_226 : vector<1024x1024xi1>, vector<1024x1024xf32>
    %reduce_min3A_243 = arith.constant dense<0x7F800000> : vector<1024xf32>
    %reduce_min3A_244 = vector.multi_reduction <minimumf>, %select_n3A_242, %reduce_min3A_243 [1] : vector<1024x1024xf32> to vector<1024xf32>
    %broadcast_in_dim3A_245 = vector.shape_cast %reduce_min3A_244 : vector<1024xf32> to vector<1024x1xf32>
    %eq3A_246 = vector.broadcast %broadcast_in_dim3A_245 : vector<1024x1xf32> to vector<1024x1024xf32>
    %eq3A_247 = arith.cmpf oeq, %select_n3A_242, %eq3A_246 : vector<1024x1024xf32>
    %jit3A_248 = arith.constant 1.024000e+03 : f32
    %broadcast_in_dim3A_249 = vector.broadcast %jit3A_248 : f32 to vector<1024x1024xf32>
    %select_n3A_250 = arith.select %eq3A_247, %convert_element_type3A_27, %broadcast_in_dim3A_249 : vector<1024x1024xi1>, vector<1024x1024xf32>
    %reduce_min3A_251 = arith.constant dense<0x7F800000> : vector<1024xf32>
    %reduce_min3A_252 = vector.multi_reduction <minimumf>, %select_n3A_250, %reduce_min3A_251 [1] : vector<1024x1024xf32> to vector<1024xf32>
    %broadcast_in_dim3A_253 = vector.shape_cast %reduce_min3A_252 : vector<1024xf32> to vector<1024x1xf32>
    %eq3A_254 = vector.broadcast %broadcast_in_dim3A_253 : vector<1024x1xf32> to vector<1024x1024xf32>
    %eq3A_255 = arith.cmpf oeq, %convert_element_type3A_27, %eq3A_254 : vector<1024x1024xf32>
    %jit3A_256 = arith.constant 0x7F800000 : f32
    %broadcast_in_dim3A_257 = vector.broadcast %jit3A_256 : f32 to vector<1024x1024xf32>
    %select_n3A_258 = arith.select %eq3A_255, %broadcast_in_dim3A_257, %select_n3A_242 : vector<1024x1024xi1>, vector<1024x1024xf32>
    %reduce_min3A_259 = arith.constant dense<0x7F800000> : vector<1024xf32>
    %reduce_min3A_260 = vector.multi_reduction <minimumf>, %select_n3A_258, %reduce_min3A_259 [1] : vector<1024x1024xf32> to vector<1024xf32>
    %broadcast_in_dim3A_261 = vector.shape_cast %reduce_min3A_260 : vector<1024xf32> to vector<1024x1xf32>
    %eq3A_262 = vector.broadcast %broadcast_in_dim3A_261 : vector<1024x1xf32> to vector<1024x1024xf32>
    %eq3A_263 = arith.cmpf oeq, %select_n3A_258, %eq3A_262 : vector<1024x1024xf32>
    %jit3A_264 = arith.constant 1.024000e+03 : f32
    %broadcast_in_dim3A_265 = vector.broadcast %jit3A_264 : f32 to vector<1024x1024xf32>
    %select_n3A_266 = arith.select %eq3A_263, %convert_element_type3A_27, %broadcast_in_dim3A_265 : vector<1024x1024xi1>, vector<1024x1024xf32>
    %reduce_min3A_267 = arith.constant dense<0x7F800000> : vector<1024xf32>
    %reduce_min3A_268 = vector.multi_reduction <minimumf>, %select_n3A_266, %reduce_min3A_267 [1] : vector<1024x1024xf32> to vector<1024xf32>
    %broadcast_in_dim3A_269 = vector.shape_cast %reduce_min3A_268 : vector<1024xf32> to vector<1024x1xf32>
    %eq3A_270 = vector.broadcast %broadcast_in_dim3A_269 : vector<1024x1xf32> to vector<1024x1024xf32>
    %eq3A_271 = arith.cmpf oeq, %convert_element_type3A_27, %eq3A_270 : vector<1024x1024xf32>
    %jit3A_272 = arith.constant 0x7F800000 : f32
    %broadcast_in_dim3A_273 = vector.broadcast %jit3A_272 : f32 to vector<1024x1024xf32>
    %select_n3A_274 = arith.select %eq3A_271, %broadcast_in_dim3A_273, %select_n3A_258 : vector<1024x1024xi1>, vector<1024x1024xf32>
    %reduce_min3A_275 = arith.constant dense<0x7F800000> : vector<1024xf32>
    %reduce_min3A_276 = vector.multi_reduction <minimumf>, %select_n3A_274, %reduce_min3A_275 [1] : vector<1024x1024xf32> to vector<1024xf32>
    %broadcast_in_dim3A_277 = vector.shape_cast %reduce_min3A_276 : vector<1024xf32> to vector<1024x1xf32>
    %eq3A_278 = vector.broadcast %broadcast_in_dim3A_277 : vector<1024x1xf32> to vector<1024x1024xf32>
    %eq3A_279 = arith.cmpf oeq, %select_n3A_274, %eq3A_278 : vector<1024x1024xf32>
    %jit3A_280 = arith.constant 1.024000e+03 : f32
    %broadcast_in_dim3A_281 = vector.broadcast %jit3A_280 : f32 to vector<1024x1024xf32>
    %select_n3A_282 = arith.select %eq3A_279, %convert_element_type3A_27, %broadcast_in_dim3A_281 : vector<1024x1024xi1>, vector<1024x1024xf32>
    %reduce_min3A_283 = arith.constant dense<0x7F800000> : vector<1024xf32>
    %reduce_min3A_284 = vector.multi_reduction <minimumf>, %select_n3A_282, %reduce_min3A_283 [1] : vector<1024x1024xf32> to vector<1024xf32>
    %broadcast_in_dim3A_285 = vector.shape_cast %reduce_min3A_284 : vector<1024xf32> to vector<1024x1xf32>
    %eq3A_286 = vector.broadcast %broadcast_in_dim3A_285 : vector<1024x1xf32> to vector<1024x1024xf32>
    %eq3A_287 = arith.cmpf oeq, %convert_element_type3A_27, %eq3A_286 : vector<1024x1024xf32>
    %jit3A_288 = arith.constant 0x7F800000 : f32
    %broadcast_in_dim3A_289 = vector.broadcast %jit3A_288 : f32 to vector<1024x1024xf32>
    %select_n3A_290 = arith.select %eq3A_287, %broadcast_in_dim3A_289, %select_n3A_274 : vector<1024x1024xi1>, vector<1024x1024xf32>
    %reduce_min3A_291 = arith.constant dense<0x7F800000> : vector<1024xf32>
    %reduce_min3A_292 = vector.multi_reduction <minimumf>, %select_n3A_290, %reduce_min3A_291 [1] : vector<1024x1024xf32> to vector<1024xf32>
    %broadcast_in_dim3A_293 = vector.shape_cast %reduce_min3A_292 : vector<1024xf32> to vector<1024x1xf32>
    %eq3A_294 = vector.broadcast %broadcast_in_dim3A_293 : vector<1024x1xf32> to vector<1024x1024xf32>
    %eq3A_295 = arith.cmpf oeq, %select_n3A_290, %eq3A_294 : vector<1024x1024xf32>
    %jit3A_296 = arith.constant 1.024000e+03 : f32
    %broadcast_in_dim3A_297 = vector.broadcast %jit3A_296 : f32 to vector<1024x1024xf32>
    %select_n3A_298 = arith.select %eq3A_295, %convert_element_type3A_27, %broadcast_in_dim3A_297 : vector<1024x1024xi1>, vector<1024x1024xf32>
    %reduce_min3A_299 = arith.constant dense<0x7F800000> : vector<1024xf32>
    %reduce_min3A_300 = vector.multi_reduction <minimumf>, %select_n3A_298, %reduce_min3A_299 [1] : vector<1024x1024xf32> to vector<1024xf32>
    %broadcast_in_dim3A_301 = vector.shape_cast %reduce_min3A_300 : vector<1024xf32> to vector<1024x1xf32>
    %concatenate3A_302 = tpu.concatenate %broadcast_in_dim3A_37, %broadcast_in_dim3A_77, %broadcast_in_dim3A_93, %broadcast_in_dim3A_109, %broadcast_in_dim3A_125, %broadcast_in_dim3A_141, %broadcast_in_dim3A_157, %broadcast_in_dim3A_173, %broadcast_in_dim3A_189, %broadcast_in_dim3A_205, %broadcast_in_dim3A_221, %broadcast_in_dim3A_237, %broadcast_in_dim3A_253, %broadcast_in_dim3A_269, %broadcast_in_dim3A_285, %broadcast_in_dim3A_301 in 1 : vector<1024x1xf32>, vector<1024x1xf32>, vector<1024x1xf32>, vector<1024x1xf32>, vector<1024x1xf32>, vector<1024x1xf32>, vector<1024x1xf32>, vector<1024x1xf32>, vector<1024x1xf32>, vector<1024x1xf32>, vector<1024x1xf32>, vector<1024x1xf32>, vector<1024x1xf32>, vector<1024x1xf32>, vector<1024x1xf32>, vector<1024x1xf32> -> vector<1024x16xf32>
    %convert_element_type3A_303 = arith.fptosi %concatenate3A_302 : vector<1024x16xf32> to vector<1024x16xi32>
    %concatenate3A_304 = tpu.concatenate %broadcast_in_dim3A_31, %broadcast_in_dim3A_69, %broadcast_in_dim3A_85, %broadcast_in_dim3A_101, %broadcast_in_dim3A_117, %broadcast_in_dim3A_133, %broadcast_in_dim3A_149, %broadcast_in_dim3A_165, %broadcast_in_dim3A_181, %broadcast_in_dim3A_197, %broadcast_in_dim3A_213, %broadcast_in_dim3A_229, %broadcast_in_dim3A_245, %broadcast_in_dim3A_261, %broadcast_in_dim3A_277, %broadcast_in_dim3A_293 in 1 : vector<1024x1xf32>, vector<1024x1xf32>, vector<1024x1xf32>, vector<1024x1xf32>, vector<1024x1xf32>, vector<1024x1xf32>, vector<1024x1xf32>, vector<1024x1xf32>, vector<1024x1xf32>, vector<1024x1xf32>, vector<1024x1xf32>, vector<1024x1xf32>, vector<1024x1xf32>, vector<1024x1xf32>, vector<1024x1xf32>, vector<1024x1xf32> -> vector<1024x16xf32>
    %swap3A = arith.constant 0 : index
    %swap3A_305 = arith.constant 0 : index
    %swap3A_306 = arith.constant 0 : index
    %swap3A_307 = arith.constant 0 : index
    %swap3A_308 = vector.load %arg4[%swap3A, %swap3A_305, %swap3A_306, %swap3A_307] : memref<1x1x1024x16xf32, #tpu.memory_space<vmem>>, vector<1x1x1024x16xf32>
    %swap3A_309 = vector.shape_cast %swap3A_308 : vector<1x1x1024x16xf32> to vector<1024x16xf32>
    %swap3A_310 = vector.shape_cast %concatenate3A_304 : vector<1024x16xf32> to vector<1x1x1024x16xf32>
    tpu.vector_store %arg4[%swap3A, %swap3A_305, %swap3A_306, %swap3A_307], %swap3A_310 {strides = array<i32>} : memref<1x1x1024x16xf32, #tpu.memory_space<vmem>>, vector<1x1x1024x16xf32>,
    %swap3A_311 = arith.constant 0 : index
    %swap3A_312 = arith.constant 0 : index
    %swap3A_313 = arith.constant 0 : index
    %swap3A_314 = arith.constant 0 : index
    %swap3A_315 = vector.load %arg5[%swap3A_311, %swap3A_312, %swap3A_313, %swap3A_314] : memref<1x1x1024x16xi32, #tpu.memory_space<vmem>>, vector<1x1x1024x16xi32>
    %swap3A_316 = vector.shape_cast %swap3A_315 : vector<1x1x1024x16xi32> to vector<1024x16xi32>
    %swap3A_317 = vector.shape_cast %convert_element_type3A_303 : vector<1024x16xi32> to vector<1x1x1024x16xi32>
    tpu.vector_store %arg5[%swap3A_311, %swap3A_312, %swap3A_313, %swap3A_314], %swap3A_317 {strides = array<i32>} : memref<1x1x1024x16xi32, #tpu.memory_space<vmem>>, vector<1x1x1024x16xi32>,
    %swap3A_318 = arith.constant 0 : index
    %swap3A_319 = arith.constant 0 : index
    %swap3A_320 = arith.constant 0 : index
    %swap3A_321 = arith.constant 0 : index
    %swap3A_322 = vector.load %arg6[%swap3A_318, %swap3A_319, %swap3A_320, %swap3A_321] : memref<1x1x1024x3xf32, #tpu.memory_space<vmem>>, vector<1x1x1024x3xf32>
    %swap3A_323 = vector.shape_cast %swap3A_322 : vector<1x1x1024x3xf32> to vector<1024x3xf32>
    %swap3A_324 = vector.shape_cast %concatenate3A : vector<1024x3xf32> to vector<1x1x1024x3xf32>
    tpu.vector_store %arg6[%swap3A_318, %swap3A_319, %swap3A_320, %swap3A_321], %swap3A_324 {strides = array<i32>} : memref<1x1x1024x3xf32, #tpu.memory_space<vmem>>, vector<1x1x1024x3xf32>,
    %swap3A_325 = arith.index_cast %arg1 : i32 to index
    %swap3A_326 = arith.constant 0 : index
    %swap3A_327 = arith.constant 0 : index
    %swap3A_328 = vector.load %arg7[%swap3A_325, %swap3A_326, %swap3A_327] : memref<8x1024x3xf32, #tpu.memory_space<vmem>>, vector<1x1024x3xf32>
    %swap3A_329 = vector.shape_cast %swap3A_328 : vector<1x1024x3xf32> to vector<1024x3xf32>
    %swap3A_330 = vector.shape_cast %concatenate3A : vector<1024x3xf32> to vector<1x1024x3xf32>
    tpu.vector_store %arg7[%swap3A_325, %swap3A_326, %swap3A_327], %swap3A_330 {strides = array<i32>} : memref<8x1024x3xf32, #tpu.memory_space<vmem>>, vector<1x1024x3xf32>,
    return
  }
  func.func @transform_0(%arg0: i32, %arg1: i32) -> (i32, i32, i32, i32) {
    %sub3A = arith.constant 1 : i32
    %sub3A_0 = arith.subi %arg0, %sub3A : i32
    %max3A = arith.constant 0 : i32
    %max3A_1 = arith.maxsi %sub3A_0, %max3A : i32
    %c0_i32 = arith.constant 0 : i32
    %c0_i32_2 = arith.constant 0 : i32
    %c0_i32_3 = arith.constant 0 : i32
    return %arg1, %max3A_1, %c0_i32, %c0_i32_2 : i32, i32, i32, i32
  }
  func.func @transform_1(%arg0: i32, %arg1: i32) -> (i32, i32, i32, i32) {
    %sub3A = arith.constant 1 : i32
    %sub3A_0 = arith.subi %arg0, %sub3A : i32
    %max3A = arith.constant 0 : i32
    %max3A_1 = arith.maxsi %sub3A_0, %max3A : i32
    %c0_i32 = arith.constant 0 : i32
    %c0_i32_2 = arith.constant 0 : i32
    %c0_i32_3 = arith.constant 0 : i32
    return %arg1, %max3A_1, %c0_i32, %c0_i32_2 : i32, i32, i32, i32
  }
  func.func @transform_2(%arg0: i32, %arg1: i32) -> (i32, i32, i32, i32) {
    %c0_i32 = arith.constant 0 : i32
    %c0_i32_0 = arith.constant 0 : i32
    %c0_i32_1 = arith.constant 0 : i32
    return %arg1, %arg0, %c0_i32, %c0_i32_0 : i32, i32, i32, i32
  }
  func.func @transform_3(%arg0: i32, %arg1: i32) -> (i32, i32, i32, i32) {
    %c0_i32 = arith.constant 0 : i32
    %c0_i32_0 = arith.constant 0 : i32
    %c0_i32_1 = arith.constant 0 : i32
    return %arg1, %arg0, %c0_i32, %c0_i32_0 : i32, i32, i32, i32
  }
  func.func @transform_4(%arg0: i32, %arg1: i32) -> (i32, i32, i32, i32) {
    %c0_i32 = arith.constant 0 : i32
    %c0_i32_0 = arith.constant 0 : i32
    %c0_i32_1 = arith.constant 0 : i32
    return %arg1, %arg0, %c0_i32, %c0_i32_0 : i32, i32, i32, i32
  }
}

</mosaic_0001>

<sc_bundles>
// kernel: kernel.4.cloned.1.call-start
scs
__scs_entry_jumppad:
0x0: {  	(pc) =	sbr.rel $0x88, $3  }
0x1: {  	(tag) =	ssettag $0x0;
	lr =	simm.s32 $0x1  }
0x2: {  	[smem:$0x3FA0] =	sst lr;
	_ =	strace $0xD0000000  }
0x3: {  	_ = 	snop  }
0x4: {  	_ = 	snop  }
0x5: {  	_ = 	snop  }
0x6: {  	_ = 	snop  }
0x7: {  	_ = 	snop  }
__scs_overlays_trampoline_lowered:
0x8: {  	[smem:$0x3FAF] =	sst s0  }
0x9: {  	[smem:$0x3FB0] =	sst s1  }
0xa: {  	[smem:$0x3FB1] =	sst s2  }
0xb: {  	[smem:$0x3FB2] =	sst s3  }
0xc: {  	[smem:$0x3FB3] =	sst s4  }
0xd: {  	[smem:$0x3FB4] =	sst s5  }
0xe: {  	[smem:$0x3FB5] =	sst s6  }
0xf: {  	[smem:$0x3FB6] =	sst s7  }
0x10: {  	[smem:$0x3FB7] =	sst s8  }
0x11: {  	[smem:$0x3FB8] =	sst s9;
	s0 =	simm.s32 @!p0 $0x0  }
0x12: {  	s1 =	sld [smem:$0x3F9E];
	s0 =	simm.s32 @p0 $0x1  }
0x13: {  	[smem:$0x3FB9] =	sst s0;
	s0 =	simm.s32 @!p1 $0x0  }
0x14: {  	s2 =	sld [smem:$0x3F9D];
	s0 =	simm.s32 @p1 $0x1  }
0x15: {  	[smem:$0x3FBA] =	sst s0;
	s0 =	simm.s32 @!p2 $0x0  }
0x16: {  	s3 =	sld [smem:$0x3FDB];
	s0 =	simm.s32 @p2 $0x1  }
0x17: {  	s4 =	simm.s32 $0x1BF5;
	[smem:$0x3FBC] =	sst s0  }
0x18: {  	s0 =	sld [smem:$0x3F9F];
	_ =	swait.ge [sflag:s4], $0x0  }
0x19: {  	s7 =	sld [smem:$0x3FA0]  }
0x1a: {  	s8 =	sadd.s32 $0xFFFFE003, lr  }
0x1b: {  	s9 =	sadd.s32 $0xFFFFFEF7, lr;
	s5 =	simm.s32 $0xFFFFFFFF;
	p2 =	slt.u32 s8, $0xFFFFF086  }
0x1c: {  	p1 =	slt.u32 s9, $0xF7A;
	s5 =	simm.s32 @!p2 $0x0  }
0x1d: {  	s5 =	simm.s32 @p1 $0x1;
	p0 =	seq.s32 s7, s2  }
0x1e: {  	s7 =	smul.u32 @!p0 $0xF7A, s2;
	p2 =	seq.s32 @!p0 s5, $0x0  }
0x1f: {  	s9 =	smul.u32 $0xF7A, s1;
	s8 =	simm.s32 @!p0 $0x1BF5;
	p2 =	por !p2, p0  }
0x20: {  	[sflag:s8] =	ssyncset.s32 @!p0 $0xFFFFF086;
	s6 =	sadd.s32 @!p0 s3, s7;
	s7 =	simm.s32 @!p0 $0x108  }
0x21: {  	s3 =	sadd.s32 s3, s9;
	s6 =	sadd.s32 @!p0 $0x88, s6;
	s7 =	simm.s32 @p2 $0x1082  }
0x22: {  	[simem:s7], [sflag:s8] =	dma.local @!p0 [hbm:s6], $0xF7A  }
0x23: {  	s9 =	sor.u32 $0xD0000000, s2;
	s6 =	simm.s32 $0x108;
	_ =	swait.ge @!p0 [sflag:s8], $0x0  }
0x24: {  	s3 =	sadd.s32 $0x88, s3;
	s6 =	simm.s32 @!p1 $0x1082;
	[sflag:s4] =	ssyncset.s32 $0xFFFFF086  }
0x25: {  	[simem:s6], [sflag:s4] =	dma.local [hbm:s3], $0xF7A  }
0x26: {  	[smem:$0x3FA0] =	sst s1;
	(tag) =	ssettag s2;
	_ =	strace s9  }
0x27: {  	s1 =	sld [smem:$0x3FB0]  }
0x28: {  	s2 =	sld [smem:$0x3FB1]  }
0x29: {  	s4 =	sld [smem:$0x3FB3]  }
0x2a: {  	p0 =	seq.s32 s5, $0x0;
	s5 =	sld [smem:$0x3FB4]  }
0x2b: {  	s6 =	sld [smem:$0x3FB5]  }
0x2c: {  	s7 =	sld [smem:$0x3FB6]  }
0x2d: {  	s3 =	simm.s32 $0x108;
	s8 =	sld [smem:$0x3FB7]  }
0x2e: {  	s3 =	simm.s32 @!p0 $0x1082;
	s9 =	sld [smem:$0x3FB8]  }
0x2f: {  	lr =	sadd.s32 s0, s3;
	s0 =	sld [smem:$0x3FAF]  }
0x30: {  	s3 =	sld [smem:$0x3FB2]  }
0x31: {  	[smem:$0x3FBB] =	sst s10  }
0x32: {  	s10 =	sld [smem:$0x3FB9];
	_ =	sdelay $0x3  }
0x33: {  	p0 =	seq.s32 s10, $0x1;
	s10 =	sld [smem:$0x3FBB];
	_ =	sdelay $0x3  }
0x34: {  	[smem:$0x3FBB] =	sst s10  }
0x35: {  	s10 =	sld [smem:$0x3FBA];
	_ =	sdelay $0x3  }
0x36: {  	p1 =	seq.s32 s10, $0x1;
	s10 =	sld [smem:$0x3FBB];
	_ =	sdelay $0x3  }
0x37: {  	[smem:$0x3FBB] =	sst s10  }
0x38: {  	s10 =	sld [smem:$0x3FBC]  }
0x39: {  	_ = 	snop;
	(pc) =	sbr.ind lr, $3  }
0x3a: {  	_ = 	snop  }
0x3b: {  	_ = 	snop  }
0x3c: {  	p2 =	seq.s32 s10, $0x1;
	s10 =	sld [smem:$0x3FBB]  }
0x3d: {  	_ =	shalt  }
0x3e: {  	_ =	shalt  }
0x3f: {  	_ =	shalt  }
0x40: {  	_ =	shalt  }
0x41: {  	_ =	shalt  }
0x42: {  	_ =	shalt  }
0x43: {  	_ =	shalt  }
0x44: {  	_ =	shalt  }
0x45: {  	_ =	shalt  }
0x46: {  	_ =	shalt  }
0x47: {  	_ =	shalt  }
0x48: {  	_ =	shalt  }
0x49: {  	_ =	shalt  }
0x4a: {  	_ =	shalt  }
0x4b: {  	_ =	shalt  }
0x4c: {  	_ =	shalt  }
0x4d: {  	_ =	shalt  }
0x4e: {  	_ =	shalt  }
0x4f: {  	_ =	shalt  }
0x50: {  	_ =	shalt  }
0x51: {  	_ =	shalt  }
0x52: {  	_ =	shalt  }
0x53: {  	_ =	shalt  }
0x54: {  	_ =	shalt  }
0x55: {  	_ =	shalt  }
0x56: {  	_ =	shalt  }
0x57: {  	_ =	shalt  }
0x58: {  	_ =	shalt  }
0x59: {  	_ =	shalt  }
0x5a: {  	_ =	shalt  }
0x5b: {  	_ =	shalt  }
0x5c: {  	_ =	shalt  }
0x5d: {  	_ =	shalt  }
0x5e: {  	_ =	shalt  }
0x5f: {  	_ =	shalt  }
0x60: {  	_ =	shalt  }
0x61: {  	_ =	shalt  }
0x62: {  	_ =	shalt  }
0x63: {  	_ =	shalt  }
0x64: {  	_ =	shalt  }
0x65: {  	_ =	shalt  }
0x66: {  	_ =	shalt  }
0x67: {  	_ =	shalt  }
0x68: {  	_ =	shalt  }
0x69: {  	_ =	shalt  }
0x6a: {  	_ =	shalt  }
0x6b: {  	_ =	shalt  }
0x6c: {  	_ =	shalt  }
0x6d: {  	_ =	shalt  }
0x6e: {  	_ =	shalt  }
0x6f: {  	_ =	shalt  }
0x70: {  	_ =	shalt  }
0x71: {  	_ =	shalt  }
0x72: {  	_ =	shalt  }
0x73: {  	_ =	shalt  }
0x74: {  	_ =	shalt  }
0x75: {  	_ =	shalt  }
0x76: {  	_ =	shalt  }
0x77: {  	_ =	shalt  }
0x78: {  	_ =	shalt  }
0x79: {  	_ =	shalt  }
0x7a: {  	_ =	shalt  }
0x7b: {  	_ =	shalt  }
0x7c: {  	_ =	shalt  }
0x7d: {  	_ =	shalt  }
0x7e: {  	_ =	shalt  }
0x7f: {  	_ =	shalt  }
0x80: {  	_ =	shalt  }
0x81: {  	_ =	shalt  }
0x82: {  	_ =	shalt  }
0x83: {  	_ =	shalt  }
0x84: {  	_ =	shalt  }
0x85: {  	_ =	shalt  }
0x86: {  	_ =	shalt  }
0x87: {  	_ =	shalt  }
.Lfunc_end0:
.L_simem_size_0:
called_computation.2_lowered:
.L_overlay_start_0:
0x88: {  	s2 =	sld [smem:$0x3FD9]  }
0x89: {  	s3 =	sld [smem:$0x3FFE];
	_ =	sdelay $0x1  }
0x8a: {  	s1 =	srdreg.scid  }
0x8b: {  	s0 =	sand.u32 $0x1, s1  }
0x8c: {  	s14 =	sshll.u32 s0, $0xA;
	s2 =	sadd.s32 s3, s2  }
0x8d: {  	s2 =	sadd.s32 s2, s14  }
0x8e: {  	[smem:$0x3FC7] =	sst s2  }
0x8f: {  	_ = 	snop  }
0x90: {  	s2 =	sld [smem:$0x3FD0];
	_ =	sdelay $0x2  }
0x91: {  	s15 =	simm.s32 $0xB;
	s4 =	simm.s32 $0x10  }
0x92: {  	[smem:s4], [sflag:s15] =	dma.local [hbm:s2], $0x1  }
0x93: {  	_ =	swait.eq [sflag:s15], $0x1  }
0x94: {  	s16 =	sld [smem:$0x10]  }
0x95: {  	s17 =	sld [smem:$0x12];
	[sflag:s15] =	ssyncset.done $0x0  }
0x96: {  	s5 =	sld [smem:$0x13];
	[sflag:s15] =	ssyncadd.s32 $0xFFFFFFFF  }
0x97: {  	s18 =	sld [smem:$0x14];
	(tm) =	ssettm $0x1  }
0x98: {  	s6 =	sld [smem:$0x3FFB];
	_ =	sdelay $0x3  }
0x99: {  	_ =	strace s6  }
0x9a: {  	s6 =	sld [smem:$0x3FFC];
	_ =	sdelay $0x3  }
0x9b: {  	_ =	strace s6  }
0x9c: {  	s6 =	sld [smem:$0x3FFD];
	_ =	sdelay $0x3  }
0x9d: {  	_ =	strace s6  }
0x9e: {  	_ =	strace $0x8FFFFFFF  }
0x9f: {  	s19 =	sld [smem:$0x3FDB];
	_ =	sdelay $0x1  }
0xa0: {  	s7 =	simm.s32 $_scs_section_size  }
0xa1: {  	s8 =	simm.s32 $_size__tile_overlayer_lowered;
	s9 =	simm.s32 $_tile_overlayer_lowered  }
0xa2: {  	s22 =	simm.s32 $0x1BFF;
	s21 =	sshll.u32 s9, $0x1;
	s6 =	sadd.s32 s7, s19  }
0xa3: {  	s10 =	simm.s32 $0x0;
	s20 =	sshll.u32 s8, $0x1;
	s8 =	sadd.s32 s21, s6  }
0xa4: {  	[timem:s10], [sflag:s22] =	dma.local [hbm:s8], s20  }
0xa5: {  	_ =	swait.ge [sflag:s22], s20  }
0xa6: {  	s7 =	ssub.s32 $0x0, s20;
	[sflag:s22] =	ssyncset.done $0x0  }
0xa7: {  	[sflag:s22] =	ssyncadd.s32 s7;
	_ =	sdelay $0x1  }
0xa8: {  	s23 =	simm.s32 $0x1B8B  }
0xa9: {  	_ =	swait.ge [sflag:s23], $0x1  }
0xaa: {  	[sflag:s23] =	ssyncset.done $0x0  }
0xab: {  	s25 =	simm.s32 $0x1B8E;
	s24 =	sld [smem:$0x3FFE];
	[sflag:s23] =	ssyncadd.s32 $0xFFFFFFFF  }
0xac: {  	s26 =	simm.s32 $execute0_lowered;
	[smem:$0x3FD2] =	sst s25  }
0xad: {  	s8 =	sshll.u32 s26, $0x1;
	_ =	strace $0x80000046;
	[dreg:$0x1] =	wrdreg $0xFFFFFFFF  }
0xae: {  	s28 =	simm.s32 $_size_execute0_lowered;
	s6 =	sadd.s32 s6, s8;
	[dreg:$0x0] =	wrdreg $0x0  }
0xaf: {  	s8 =	sshll.u32 s28, $0x1;
	[dreg:$0x2] =	wrdreg s6  }
0xb0: {  	[dreg:$0x3] =	wrdreg s8  }
0xb1: {  	[dreg:$0x4] =	wrdreg $0xC0  }
0xb2: {  	_ =	task [dreg:s10], $0x5FFFF  }
0xb3: {  	[dreg:$0x1] =	wrdreg $0xFFFFFFFF  }
0xb4: {  	[dreg:$0x0] =	wrdreg $0x60  }
0xb5: {  	[dreg:$0x2] =	wrdreg s18  }
0xb6: {  	[dreg:$0x3] =	wrdreg s5  }
0xb7: {  	[dreg:$0x4] =	wrdreg s17  }
0xb8: {  	[dreg:$0x5] =	wrdreg s16  }
0xb9: {  	[dreg:$0x6] =	wrdreg s24  }
0xba: {  	[dreg:$0x7] =	wrdreg $0x9  }
0xbb: {  	_ =	task.clear_ibuf [dreg:s10], $0x8FFFF;
	_ =	strace $0x90000046  }
0xbc: {  	s29 =	simm.s32 $0x9;
	_ =	strace $0x80000048  }
0xbd: {  	_ =	swait.ge [sflag:s29], $0x1  }
0xbe: {  	[sflag:s29] =	ssyncadd.s32 $0xFFFFFFFF  }
0xbf: {  	_ =	strace $0x90000048  }
0xc0: {  	_ =	sfence  }
0xc1: {  	s30 =	sld [smem:$0x0];
	_ =	sdelay $0x2  }
0xc2: {  	s31 =	sshll.u32 s1, $0xD;
	s1 =	sshrl.u32 s1, $0x2  }
0xc3: {  	s3 =	sand.u32 $0x4000, s31;
	s1 =	sadd.s32 s1, s30  }
0xc4: {  	s0 =	sor.u32 s3, s0;
	s1 =	sshll.u32 s1, $0x11  }
0xc5: {  	s0 =	sor.u32 s1, s0  }
0xc6: {  	s0 =	sadd.s32 $0x8F2B, s0  }
0xc7: {  	[sflag:s0] =	ssyncadd.remote.s32 $0x1  }
0xc8: {  	_ =	sfence.sel $0xFFFF  }
0xc9: {  	[dreg:$0x0] =	wrdreg $0xFFFFFFFF;
	(pc) =	sbr.abs _section_cstart, $3  }
0xca: {  	[dreg:$0x1] =	wrdreg $0xFFFFFFFF  }
0xcb: {  	_ =	task.clear_ibuf [dreg:s10], $0x2FFFF;
	_ =	strace $0x9FFFFFFF  }
0xcc: {  	(tm) =	ssettm $0x7FFFFFFF  }
0xcd: {  	_ =	shalt  }
tec
execute0_lowered:
.L_overlay_start_1:
0x0: {  	(tag) =	ssettag $0x1  }
0x1: {  	s1 =	rddreg [dreg:$0x0]  }
0x2: {  	s2 =	rddreg [dreg:$0x1]  }
0x3: {  	s8 =	rddreg [dreg:$0x2]  }
0x4: {  	s3 =	rddreg [dreg:$0x3]  }
0x5: {  	s6 =	rddreg [dreg:$0x4]  }
0x6: {  	s0 =	rddreg [dreg:$0x5]  }
0x7: {  	s5 =	simm.s32 $0x0;
	s7 =	srdreg.scid;
	s4 =	stileid.u32  }
0x8: {  	s13 =	simm.s32 $0x400;
	s14 =	simm.s32 $0xC00;
	s15 =	simm.s32 $0x1  }
0x9: {  	s16 =	simm.s32 $0x2000;
	s17 =	simm.s32 $0x3800;
	s18 =	simm.s32 $0x0  }
0xa: {  	v1 =	vlaneseq.u32;
	[smem:$0x7FF] =	sst s5;
	s7 =	sand.u32 $0x1, s7;
	s6 =	sadd.s32 $0x1200, s6  }
0xb: {  	s9 =	sshll.u32 s4, $0x4;
	s30 =	sshll.u32 s4, $0x3;
	v0 =	vmul.u32 $0x3, v1;
	s10 =	sshll.u32 s7, $0x3  }
0xc: {  	v1 =	vmul.u32 $0x6, v1;
	_ =	strace $0x80000047;
	s11 =	ssub.s32 $0x2, s7;
	s7 =	sor.u32 s10, s9  }
0xd: {  	s31 =	sshrl.u32 s11, $0x1;
	s9 =	sand.u32 $0x70, s30;
	v2 =	vadd.s32 $0x1, v0;
	s12 =	sshrl.u32 s7, $0x3  }
0xe: {  	v3 =	vadd.s32 $0x2, v0;
	v4 =	vor.u32 $0x1, v1;
	v5 =	vadd.s32 $0x2, v1;
	s11 =	ssub.s32 s11, s31;
	s8 =	sadd.s32 s8, s9;
	s9 =	smul.u32 $0x60000, s12  }
0xf: {  	v6 =	vadd.s32 $0x3, v1;
	v7 =	vadd.s32 $0x4, v1;
	v8 =	vadd.s32 $0x5, v1;
	s10 =	smul.u32 $0xC0000, s12;
	s11 =	smax.u32 s11, $0x1;
	s12 =	simm.s32 $0x80  }
.LBB2_1:
0x10: {  	[tilespmem:s14], [sflag:$0x1] =	stream.strided.gather [hbm4b:s8+s12], $0xC00, s13, s12, $0x38;
	[tilespmem:$0x6800] =	vst v63  }
0x11: {  	_ =	swait.ge [sflag:s15], $0xC00  }
0x12: {  	[sflag:s15] =	ssyncset.done $0x0  }
0x13: {  	s19 =	simm.s32 $0x0;
	[sflag:s15] =	ssyncadd.s32 $0xFFFFF400  }
.LBB2_2:
0x14: {  	s20 =	sor.u32 s7, s19  }
0x15: {  	s21 =	sand.u32 $0x1F, s20  }
0x16: {  	p0 =	sne.s32 s21, $0x0;
	s21 =	simm.s32 $0x1  }
0x17: {  	s21 =	simm.s32 @!p0 $0x0  }
0x18: {  	s20 =	ssub.s32 s20, s21  }
0x19: {  	s21 =	sshrl.u32 s20, $0x3  }
0x1a: {  	s20 =	sshll.u32 s20, $0x7;
	s21 =	smul.u32 $0x6000, s21  }
0x1b: {  	s20 =	sand.u32 $0x380, s20  }
0x1c: {  	s20 =	sor.u32 s20, s21  }
0x1d: {  	s20 =	sshrl.u32 s20, $0x3  }
0x1e: {  	s31 =	sadd.s32 s1, s20;
	s20 =	simm.s32 $0x0  }
0x1f: {  	[tilespmem:s20], [sflag:$0x1] =	stream.strided.gather [hbm4b:s31+s12], $0xC00, s13, s12, $0x38;
	[tilespmem:$0x6800] =	vst v63  }
0x20: {  	s24 =	simm.s32 $0x0;
	_ =	swait.ge [sflag:s15], $0xC00  }
0x21: {  	s25 =	simm.s32 $0x0;
	s21 =	sshll.u32 s19, $0x7;
	[sflag:s15] =	ssyncset.done $0x0  }
0x22: {  	s22 =	sadd.s32 s21, s9;
	s23 =	sadd.s32 s21, s10;
	[sflag:s15] =	ssyncadd.s32 $0xFFFFF400  }
.LBB2_3:
0x23: {  	s26 =	sadd.s32 s7, s25  }
0x24: {  	s26 =	sshll.u32 s26, $0xE  }
0x25: {  	s26 =	sadd.s32 s21, s26  }
0x26: {  	s26 =	sshrl.u32 s26, $0x3  }
0x27: {  	s28 =	sadd.s32 s2, s26;
	s26 =	simm.s32 $0x1800  }
0x28: {  	[tilespmem:s26], [sflag:$0x1] =	stream.strided.gather [hbm4b:s28+s12], $0x800, s13, s12, $0x38;
	[tilespmem:$0x6800] =	vst v63  }
0x29: {  	_ =	swait.ge [sflag:s15], $0x800  }
0x2a: {  	[sflag:s15] =	ssyncset.done $0x0  }
0x2b: {  	[sflag:s15] =	ssyncadd.s32 $0xFFFFF800  }
0x2c: {  	v9 =	vld [tilespmem:s26+$0x0];
	_ =	sdelay $0x4  }
0x2d: {  	v9 =	vmul.u32 $0x3, v9;
	_ =	sdelay $0x1  }
0x2e: {  	v10 =	vadd.s32 $0x1, v9  }
0x2f: {  	v11 =	vadd.s32 $0x2, v9  }
0x30: {  	v12 =	vmov s24  }
0x31: {  	v13 =	vadd.s32 $0x1, v12  }
0x32: {  	v15 =	vadd.s32 s20, v0;
	v14 =	vadd.s32 $0x2, v12;
	v9 =	vld.idx.msk [tilespmem:v9+s5+$0x0], $0xffff  }
0x33: {  	v16 =	vld.idx.msk [tilespmem:v10+s5+$0x0], $0xffff;
	v10 =	vadd.s32 s20, v2  }
0x34: {  	v17 =	vadd.s32 s20, v3;
	v11 =	vld.idx.msk [tilespmem:v11+s5+$0x0], $0xffff  }
0x35: {  	v18 =	vadd.s32 s20, v1;
	v12 =	vld.idx.msk [tilespmem:v12+s14+$0x0], $0xffff  }
0x36: {  	v19 =	vadd.s32 s20, v4;
	v13 =	vld.idx.msk [tilespmem:v13+s14+$0x0], $0xffff  }
0x37: {  	v20 =	vadd.s32 s20, v5;
	v14 =	vld.idx.msk [tilespmem:v14+s14+$0x0], $0xffff;
	[tilespmem:v15+s16+$0x0] =	vst.idx.msk $0xffff, v9  }
0x38: {  	v15 =	vadd.s32 s20, v6;
	[tilespmem:v10+s16+$0x0] =	vst.idx.msk $0xffff, v16  }
0x39: {  	v10 =	vadd.s32 s20, v7;
	[tilespmem:v17+s16+$0x0] =	vst.idx.msk $0xffff, v11  }
0x3a: {  	v63 =	vsub.f32 v9, v12;
	[tilespmem:v18+s17+$0x0] =	vst.idx.msk $0xffff, v9;
	v9 =	vadd.s32 s20, v8  }
0x3b: {  	[tilespmem:v19+s17+$0x0] =	vst.idx.msk $0xffff, v16  }
0x3c: {  	v12 =	vsub.f32 v16, v13;
	[tilespmem:v20+s17+$0x0] =	vst.idx.msk $0xffff, v11  }
0x3d: {  	s29 =	simm.s32 $0x0;
	s30 =	smov.u32 s24;
	s28 =	simm.s32 $0x30;
	v11 =	vsub.f32 v11, v14;
	[tilespmem:v15+s17+$0x0] =	vst.idx.msk $0xffff, v63  }
.LBB2_4:
0x3e: {  	[tilespmem:v10+s17+$0x0] =	vst.idx.msk $0xffff, v12;
	s29 =	sadd.s32 $0x60, s29;
	s26 =	sadd.s32 $0x10, s26;
	s30 =	sadd.s32 $0x3, s30  }
0x3f: {  	p0 =	sne.s32 s28, $0x17D0;
	s31 =	smov.u32 s28;
	s28 =	sadd.s32 $0x30, s28;
	[tilespmem:v9+s17+$0x0] =	vst.idx.msk $0xffff, v11  }
0x40: {  	v9 =	vld [tilespmem:s26+$0x0];
	_ =	sdelay $0x4  }
0x41: {  	v9 =	vmul.u32 $0x3, v9;
	_ =	sdelay $0x1  }
0x42: {  	v10 =	vadd.s32 $0x1, v9;
	v11 =	vadd.s32 $0x2, v9;
	_ =	sdelay $0x1  }
0x43: {  	v12 =	vmov s30  }
0x44: {  	v13 =	vadd.s32 $0x1, v12;
	v14 =	vadd.s32 $0x2, v12  }
0x45: {  	v15 =	vld.idx.msk [tilespmem:v9+s5+$0x0], $0xffff;
	v9 =	vadd.s32 s31, v0  }
0x46: {  	v16 =	vld.idx.msk [tilespmem:v10+s5+$0x0], $0xffff;
	v10 =	vadd.s32 s31, v2  }
0x47: {  	v17 =	vadd.s32 s31, v3;
	v11 =	vld.idx.msk [tilespmem:v11+s5+$0x0], $0xffff  }
0x48: {  	v18 =	vadd.s32 s29, v1;
	v12 =	vld.idx.msk [tilespmem:v12+s14+$0x0], $0xffff  }
0x49: {  	v19 =	vadd.s32 s29, v4;
	v13 =	vld.idx.msk [tilespmem:v13+s14+$0x0], $0xffff  }
0x4a: {  	v20 =	vadd.s32 s29, v5;
	v14 =	vld.idx.msk [tilespmem:v14+s14+$0x0], $0xffff  }
0x4b: {  	v21 =	vadd.s32 s29, v6;
	[tilespmem:v9+s16+$0x0] =	vst.idx.msk $0xffff, v15  }
0x4c: {  	[tilespmem:v10+s16+$0x0] =	vst.idx.msk $0xffff, v16;
	v10 =	vadd.s32 s29, v7  }
.Ltmp0:
0x4d: {  	v9 =	vadd.s32 s29, v8;
	[tilespmem:v17+s16+$0x0] =	vst.idx.msk $0xffff, v11;
	(pc) =	sbr.rel @p0 .LBB2_4-.Ltmp0, $4  }
0x4e: {  	[tilespmem:v18+s17+$0x0] =	vst.idx.msk $0xffff, v15;
	v15 =	vsub.f32 v15, v12  }
0x4f: {  	v12 =	vsub.f32 v16, v13;
	[tilespmem:v19+s17+$0x0] =	vst.idx.msk $0xffff, v16  }
0x50: {  	[tilespmem:v20+s17+$0x0] =	vst.idx.msk $0xffff, v11;
	v11 =	vsub.f32 v11, v14  }
0x51: {  	[tilespmem:v21+s17+$0x0] =	vst.idx.msk $0xffff, v15  }
0x52: {  	_ = 	snop  }
0x53: {  	s26 =	smul.u32 $0xC000, s25;
	_ =	sdelay $0x1  }
0x54: {  	s26 =	sadd.s32 s22, s26  }
0x55: {  	[tilespmem:v10+s17+$0x0] =	vst.idx.msk $0xffff, v12;
	s26 =	sshrl.u32 s26, $0x3  }
0x56: {  	s28 =	smul.u32 $0x18000, s25;
	[tilespmem:v9+s17+$0x0] =	vst.idx.msk $0xffff, v11;
	s26 =	sadd.s32 s3, s26  }
0x57: {  	[hbm4b:s26+s12] =	stream.strided.scatter [tilespmem:s16], [sflag:$0x1], $0x1800, s13, s12, $0x38;
	[tilespmem:$0x6800] =	vst v63  }
0x58: {  	s25 =	sadd.s32 $0x1, s25;
	s31 =	sadd.s32 s23, s28;
	_ =	swait.ge [sflag:s15], $0x1800  }
0x59: {  	p0 =	sne.s32 s25, $0x8;
	s26 =	sshrl.u32 s31, $0x3;
	[sflag:s15] =	ssyncset.done $0x0  }
.Ltmp1:
0x5a: {  	s26 =	sadd.s32 s6, s26;
	[sflag:s15] =	ssyncadd.s32 $0xFFFFE800;
	(pc) =	sbr.rel @p0 .LBB2_3-.Ltmp1, $4  }
0x5b: {  	[hbm4b:s26+s12] =	stream.strided.scatter [tilespmem:s17], [sflag:$0x1], $0x3000, s13, s12, $0x38;
	[tilespmem:$0x6800] =	vst v63  }
0x5c: {  	_ =	swait.ge [sflag:s15], $0x3000  }
0x5d: {  	[sflag:s15] =	ssyncset.done $0x0  }
0x5e: {  	s24 =	sadd.s32 $0x180, s24;
	[sflag:s15] =	ssyncadd.s32 $0xFFFFD000  }
0x5f: {  	s19 =	sadd.s32 $0x1, s19  }
0x60: {  	p0 =	sne.s32 s19, $0x8  }
.Ltmp2:
0x61: {  	_ = 	snop;
	(pc) =	sbr.rel @p0 .LBB2_2-.Ltmp2, $1  }
0x62: {  	_ =	sdelay $0x3  }
0x63: {  	s18 =	sadd.s32 $0x1, s18  }
0x64: {  	p0 =	sne.s32 s18, s11  }
.Ltmp3:
0x65: {  	_ = 	snop;
	(pc) =	sbr.rel @p0 .LBB2_1-.Ltmp3, $1  }
0x66: {  	_ =	sdelay $0x3  }
0x67: {  	_ =	sfence.sel $0x180000  }
0x68: {  	[bflag:$0x0] =	sbarrier.arrive $0xFFFF  }
0x69: {  	p0 =	sne.s32 s4, $0x0;
	_ =	strace $0x90000047  }
0x6a: {  	s0 =	sadd.s32 @!p0 $0x100000, s0;
	[bflag:$0x2] =	sbarrier.arrive $0xFFFF  }
0x6b: {  	[sflag:s0] =	ssyncadd.tile.s32 @!p0 $0x1;
	_ =	shalt  }
.Lfunc_end2:
_tile_overlayer_lowered:
.L_overlay_start_2:
0x6c: {  	(tag) =	ssettag $0x2  }
0x6d: {  	s0 =	rddreg [dreg:$0x0];
	s2 =	stileid.u32  }
0x6e: {  	s1 =	rddreg [dreg:$0x1];
	p0 =	sne.s32 s2, $0x0  }
0x6f: {  	s3 =	rddreg [dreg:$0x2];
	[bflag:$0x3] =	sbarrier.arrive $0xFFFF;
	s2 =	simm.s32 @!p0 $0x1C01  }
0x70: {  	[timem:s3], [sflag:s2] =	dma.local @!p0 [hbm:s0], s1  }
0x71: {  	s0 =	simm.s32 @!p0 $0x1  }
0x72: {  	_ =	swait.ge @!p0 [sflag:s0], s1  }
0x73: {  	s1 =	ssub.s32 @!p0 $0x0, s1;
	[sflag:s0] =	ssyncset.done @!p0 $0x0  }
0x74: {  	[sflag:s0] =	ssyncadd.s32 @!p0 s1  }
0x75: {  	[bflag:$0x3] =	sbarrier.arrive $0xFFFF  }
0x76: {  	_ =	shalt  }

// kernel: sparse-core-data-format-call.1.cloned.1.call-start
scs
called_computation.1_lowered:
.L_overlay_start_0:
0x0: {  	s2 =	sld [smem:$0x3FD9]  }
0x1: {  	s3 =	sld [smem:$0x3FFE];
	_ =	sdelay $0x1  }
0x2: {  	s1 =	srdreg.scid  }
0x3: {  	s0 =	sand.u32 $0x1, s1  }
0x4: {  	s16 =	sshll.u32 s0, $0xA;
	s2 =	sadd.s32 s3, s2  }
0x5: {  	s2 =	sadd.s32 s2, s16  }
0x6: {  	[smem:$0x3FC7] =	sst s2  }
0x7: {  	_ = 	snop  }
0x8: {  	s2 =	sld [smem:$0x3FD0];
	_ =	sdelay $0x2  }
0x9: {  	s17 =	simm.s32 $0xB;
	s4 =	simm.s32 $0x10  }
0xa: {  	[smem:s4], [sflag:s17] =	dma.local [hbm:s2], $0x1  }
0xb: {  	_ =	swait.eq [sflag:s17], $0x1  }
0xc: {  	[sflag:s17] =	ssyncset.done $0x0  }
0xd: {  	[sflag:s17] =	ssyncadd.s32 $0xFFFFFFFF  }
0xe: {  	s18 =	sld [smem:$0x10];
	(tm) =	ssettm $0x1  }
0xf: {  	s19 =	sld [smem:$0x3FFB];
	_ =	sdelay $0x3  }
0x10: {  	_ =	strace s19  }
0x11: {  	s2 =	sld [smem:$0x3FFC];
	_ =	sdelay $0x3  }
0x12: {  	_ =	strace s2  }
0x13: {  	s2 =	sld [smem:$0x3FFD];
	_ =	sdelay $0x3  }
0x14: {  	_ =	strace s2  }
0x15: {  	_ =	strace $0x8FFFFFFF  }
0x16: {  	s20 =	sld [smem:$0x3FDB];
	_ =	sdelay $0x1  }
0x17: {  	s21 =	simm.s32 $_scs_section_size  }
0x18: {  	s5 =	simm.s32 $_size__tile_overlayer_lowered;
	s6 =	simm.s32 $_tile_overlayer_lowered  }
0x19: {  	s7 =	simm.s32 $0x1BFF;
	s22 =	sshll.u32 s6, $0x1;
	s4 =	sadd.s32 s21, s20  }
0x1a: {  	s23 =	simm.s32 $0x0;
	s5 =	sshll.u32 s5, $0x1;
	s6 =	sadd.s32 s22, s4  }
0x1b: {  	[timem:s23], [sflag:s7] =	dma.local [hbm:s6], s5  }
0x1c: {  	_ =	swait.ge [sflag:s7], s5  }
0x1d: {  	s5 =	ssub.s32 $0x0, s5;
	[sflag:s7] =	ssyncset.done $0x0  }
0x1e: {  	[sflag:s7] =	ssyncadd.s32 s5;
	_ =	sdelay $0x1  }
0x1f: {  	s24 =	simm.s32 $0x1B8B  }
0x20: {  	_ =	swait.ge [sflag:s24], $0x1  }
0x21: {  	[sflag:s24] =	ssyncset.done $0x0  }
0x22: {  	[sflag:s24] =	ssyncadd.s32 $0xFFFFFFFF  }
0x23: {  	s5 =	sld [smem:$0x0]  }
0x24: {  	s6 =	sand.u32 $0xFFFFFFFE, s1  }
0x25: {  	p0 =	sne.s32 s1, s6  }
0x26: {  	s6 =	sshll.u32 @p0 s6, $0xE  }
0x27: {  	s6 =	sadd.s32 @p0 $0x11B8D, s6;
	s7 =	sshll.u32 @p0 s5, $0x11  }
0x28: {  	s6 =	sor.u32 @p0 s7, s6  }
0x29: {  	[sflag:s6] =	ssyncadd.remote.s32 @p0 $0x1;
	_ =	sdelay $0x1  }
0x2a: {  	s6 =	simm.s32 @p0 $0x1B8D  }
0x2b: {  	_ =	swait.eq @p0 [sflag:s6], $0x1  }
0x2c: {  	[sflag:s6] =	ssyncadd.s32 @p0 $0xFFFFFFFF  }
0x2d: {  	s7 =	sshll.u32 @!p0 s1, $0xE  }
0x2e: {  	s7 =	sor.u32 @!p0 $0x4000, s7;
	s6 =	simm.s32 @!p0 $0x1B8D  }
0x2f: {  	s5 =	sshll.u32 @!p0 s5, $0x11;
	s7 =	sadd.s32 @!p0 $0x11B8D, s7;
	_ =	swait.eq @!p0 [sflag:s6], $0x1  }
0x30: {  	s5 =	sor.u32 @!p0 s5, s7;
	[sflag:s6] =	ssyncadd.s32 @!p0 $0xFFFFFFFF  }
0x31: {  	s26 =	simm.s32 $0x1B8E;
	s25 =	sld [smem:$0x3FFE];
	[sflag:s5] =	ssyncadd.remote.s32 @!p0 $0x1  }
0x32: {  	s27 =	simm.s32 $execute0_lowered;
	[smem:$0x3FD2] =	sst s26  }
0x33: {  	s6 =	sshll.u32 s27, $0x1;
	_ =	strace $0x8000004C;
	[dreg:$0x1] =	wrdreg $0xFFFFFFFF  }
0x34: {  	s28 =	simm.s32 $_size_execute0_lowered;
	s4 =	sadd.s32 s4, s6;
	[dreg:$0x0] =	wrdreg $0x0  }
0x35: {  	s6 =	sshll.u32 s28, $0x1;
	[dreg:$0x2] =	wrdreg s4  }
0x36: {  	[dreg:$0x3] =	wrdreg s6  }
0x37: {  	[dreg:$0x4] =	wrdreg $0xC0  }
0x38: {  	_ =	task [dreg:s23], $0x5FFFF  }
0x39: {  	[dreg:$0x1] =	wrdreg $0xFFFFFFFF  }
0x3a: {  	[dreg:$0x0] =	wrdreg $0x60  }
0x3b: {  	[dreg:$0x2] =	wrdreg s25  }
0x3c: {  	[dreg:$0x3] =	wrdreg s18  }
0x3d: {  	[dreg:$0x4] =	wrdreg $0xA  }
0x3e: {  	_ =	task.clear_ibuf [dreg:s23], $0x5FFFF;
	_ =	strace $0x9000004C  }
0x3f: {  	s29 =	simm.s32 $0xA;
	_ =	strace $0x8000004E  }
0x40: {  	_ =	swait.ge [sflag:s29], $0x1  }
0x41: {  	[sflag:s29] =	ssyncadd.s32 $0xFFFFFFFF  }
0x42: {  	_ =	strace $0x9000004E  }
0x43: {  	_ =	sfence  }
0x44: {  	s30 =	sld [smem:$0x0];
	_ =	sdelay $0x2  }
0x45: {  	s31 =	sshll.u32 s1, $0xD;
	s1 =	sshrl.u32 s1, $0x2  }
0x46: {  	s4 =	sand.u32 $0x4000, s31;
	s1 =	sadd.s32 s1, s30  }
0x47: {  	s0 =	sor.u32 s4, s0;
	s1 =	sshll.u32 s1, $0x11  }
0x48: {  	s0 =	sor.u32 s1, s0  }
0x49: {  	s0 =	sadd.s32 $0x8F2B, s0  }
0x4a: {  	[sflag:s0] =	ssyncadd.remote.s32 $0x1  }
0x4b: {  	_ =	sfence.sel $0xFFFF  }
0x4c: {  	[dreg:$0x0] =	wrdreg $0xFFFFFFFF;
	(pc) =	sbr.abs _section_cstart, $3  }
0x4d: {  	[dreg:$0x1] =	wrdreg $0xFFFFFFFF  }
0x4e: {  	_ =	task.clear_ibuf [dreg:s23], $0x2FFFF;
	_ =	strace $0x9FFFFFFF  }
0x4f: {  	(tm) =	ssettm $0x7FFFFFFF  }
tec
execute0_lowered:
.L_overlay_start_1:
0x0: {  	(tag) =	ssettag $0x1  }
0x1: {  	s0 =	stileid.u32;
	s4 =	rddreg [dreg:$0x0]  }
0x2: {  	s3 =	rddreg [dreg:$0x1];
	s7 =	srdreg.scid;
	s8 =	simm.s32 $0x2  }
0x3: {  	s15 =	simm.s32 $0x0;
	s9 =	simm.s32 $0x18000;
	s17 =	simm.s32 $0x0  }
0x4: {  	s18 =	simm.s32 $0x0;
	s16 =	simm.s32 $0x0;
	s1 =	sshll.u32 s0, $0x7  }
0x5: {  	s10 =	simm.s32 $0x0;
	s11 =	simm.s32 $0x0;
	s2 =	sand.u32 $0x380, s1  }
0x6: {  	s14 =	simm.s32 $0x0;
	s4 =	sadd.s32 $0x1601200, s4;
	s5 =	ssub.s32 $0x400, s2  }
0x7: {  	s7 =	sshll.u32 s7, $0x4;
	s1 =	rddreg [dreg:$0x2];
	s6 =	sand.u32 $0x380, s5  }
0x8: {  	s7 =	sand.u32 $0x10, s7;
	p0 =	sne.s32 s6, $0x0;
	s6 =	simm.s32 $0x1  }
.Ltmp0:
0x9: {  	s5 =	sshrl.u32 s5, $0xA;
	s6 =	simm.s32 @!p0 $0x0;
	(pc) =	sbr.rel .LBB1_1-.Ltmp0, $4  }
0xa: {  	_ =	strace $0x8000004D;
	s7 =	sor.u32 s0, s7;
	s6 =	sadd.s32 s6, s5  }
0xb: {  	s7 =	sshrl.u32 s7, $0x3;
	s5 =	simm.s32 $0x1;
	s6 =	smul.u32 $0xC0, s6  }
0xc: {  	s13 =	smov.u32 s2;
	s12 =	smov.u32 s7;
	[sflag:s5] =	ssyncpa.u1 $0x0  }
0xd: {  	p0 =	por $0x0, $0x0;
	[sflag:s8] =	ssyncpa.u1 $0x0;
	s8 =	sor.u32 $0x1, s6  }
.LBB1_4:
0xe: {  	s21 =	sshll.u32 s18, $0xA  }
0xf: {  	s22 =	sshll.u32 s16, $0x3;
	s28 =	sand.u32 $0x78, s16;
	s29 =	sshll.u32 s18, $0x7  }
0x10: {  	s15 =	smul.u32 $0x60000, s15;
	s17 =	sshll.u32 s17, $0xB;
	s30 =	sand.u32 $0x7, s16  }
0x11: {  	s21 =	sand.u32 $0x2000, s21;
	s22 =	sand.u32 $0x3C00, s22;
	s18 =	sand.u32 $0x380, s29  }
0x12: {  	s17 =	sadd.s32 s3, s17;
	s21 =	sadd.s32 s22, s21;
	s18 =	sor.u32 s28, s18  }
0x13: {  	s15 =	sadd.s32 s15, s17;
	s21 =	sshrl.u32 s21, $0x3;
	s18 =	sshrl.u32 s18, $0x3  }
0x14: {  	s16 =	sshll.u32 s30, $0x12;
	s31 =	sand.u32 $0x780, s21;
	s15 =	sadd.s32 s18, s15  }
0x15: {  	[tilespmem:s20+$0x0 ss:$0x81] =	vst.msk $0xffff, v0;
	s16 =	sor.u32 $0x80, s16;
	s15 =	sadd.s32 s31, s15  }
0x16: {  	[hbm4b:s15+s16] =	stream.strided.scatter [tilespmem:s19], [sflag:$0x2], $0x1000, s9, s16, $0x20;
	[tilespmem:$0x4040] =	vst v63  }
.LBB1_5:
0x17: {  	s19 =	sadd.s32 $0x1, s10  }
0x18: {  	s15 =	simm.s32 $0x1;
	p2 =	sgt.s32 s19, $0x7  }
0x19: {  	s15 =	simm.s32 @!p2 $0x0  }
0x1a: {  	s20 =	sadd.s32 s15, s11  }
0x1b: {  	s21 =	smov.u32 s12;
	s15 =	sadd.s32 $0x4, s12;
	p3 =	sgt.s32 s20, $0x5  }
0x1c: {  	s21 =	smov.u32 @p3 s15  }
0x1d: {  	s22 =	smov.u32 s13;
	s15 =	sadd.s32 $0x400, s13;
	p4 =	sgt.s32 s21, $0xF  }
0x1e: {  	p1 =	slt.u32 s14, $0x2;
	s22 =	smov.u32 @p4 s15  }
0x1f: {  	s17 =	smov.u32 s11;
	s19 =	simm.s32 @p2 $0x0;
	p2 =	sgt.s32 s22, $0x3FF  }
0x20: {  	s23 =	simm.s32 @!p1 $0x2;
	s22 =	smov.u32 @p2 s2;
	p2 =	sne.s32 s14, s8  }
.Ltmp1:
0x21: {  	s18 =	smov.u32 s12;
	_ =	swait.ge @!p1 [sflag:s23], $0x1000;
	(pc) =	sbr.rel @!p2 .LBB1_6-.Ltmp1, $4  }
0x22: {  	s16 =	smov.u32 s13;
	[sflag:s23] =	ssyncset.done @!p1 $0x0;
	s20 =	simm.s32 @p3 $0x0  }
0x23: {  	p0 =	por !p0, !p0;
	[sflag:s23] =	ssyncadd.s32 @!p1 $0xFFFFF000;
	s11 =	smov.u32 s20  }
0x24: {  	s21 =	smov.u32 @p4 s7;
	s15 =	smov.u32 s10;
	s10 =	smov.u32 s19  }
0x25: {  	s12 =	smov.u32 s21;
	s14 =	sadd.s32 $0x1, s14;
	s13 =	smov.u32 s22  }
.LBB1_1:
0x26: {  	p1 =	sge.u32 s14, s6  }
0x27: {  	s19 =	smul.u32 @!p1 $0x3000, s13  }
0x28: {  	s31 =	sadd.s32 $0xFFFFFFFF, s14;
	s21 =	smul.u32 @!p1 $0x300, s12  }
0x29: {  	s20 =	sxor.u32 @!p1 $0xFFFFFFFF, s14;
	s22 =	sshll.u32 @!p1 s11, $0x7;
	s19 =	sadd.s32 @!p1 s4, s19  }
0x2a: {  	s23 =	sshll.u32 @!p1 s10, $0x4;
	s20 =	sshll.u32 @!p1 s20, $0xC;
	s19 =	sadd.s32 @!p1 s21, s19  }
0x2b: {  	s20 =	sand.u32 @!p1 $0x1000, s20;
	s21 =	sand.u32 @!p1 $0x70, s23;
	s19 =	sadd.s32 @!p1 s22, s19  }
0x2c: {  	s22 =	simm.s32 @!p1 $0x18000;
	s19 =	sadd.s32 @!p1 s21, s19;
	s21 =	simm.s32 @!p1 $0x20  }
0x2d: {  	[tilespmem:s20], [sflag:$0x1] =	stream.strided.gather @!p1 [hbm4b:s19+s21], $0x1000, s22, s21, $0x38;
	[tilespmem:$0x4040] =	vst v63  }
0x2e: {  	p1 =	sge.u32 s31, s6  }
.Ltmp2:
0x2f: {  	_ = 	snop;
	(pc) =	sbr.rel @p1 .LBB1_5-.Ltmp2, $1  }
0x30: {  	_ =	sdelay $0x3  }
0x31: {  	s19 =	simm.s32 $0x1  }
0x32: {  	_ =	swait.ge [sflag:s5], $0x1000;
	s19 =	simm.s32 @!p0 $0x0  }
0x33: {  	[sflag:s5] =	ssyncset.done $0x0;
	s20 =	sshll.u32 s19, $0xC  }
0x34: {  	[sflag:s5] =	ssyncadd.s32 $0xFFFFF000;
	s23 =	sor.u32 $0x10, s20  }
0x35: {  	s19 =	smul.u32 $0x4080, s19;
	v1 =	vld [tilespmem:s23+$0x0]  }
0x36: {  	s30 =	sand.u32 $0x1, s14;
	v0 =	vld [tilespmem:s23+$0xFFFFFFF0]  }
0x37: {  	s20 =	smul.u32 $0x4080, s30;
	s19 =	sshrl.u32 s19, $0x2  }
0x38: {  	s21 =	sor.u32 $0x2000, s19  }
0x39: {  	s31 =	sshrl.u32 s20, $0x2;
	s20 =	sadd.s32 $0x0, s21  }
0x3a: {  	s22 =	simm.s32 $0x4;
	s23 =	sadd.s32 $0x20, s23;
	s19 =	sor.u32 $0x2000, s31;
	[tilespmem:s20+$0x810 ss:$0x81] =	vst.msk $0xffff, v1  }
.LBB1_3:
0x3b: {  	v1 =	vld [tilespmem:s23+$0x0];
	p1 =	sne.s32 s22, $0x1FC;
	[tilespmem:s20+$0x0 ss:$0x81] =	vst.msk $0xffff, v0;
	s20 =	smov.u32 s22;
	s22 =	sadd.s32 $0x4, s22  }
.Ltmp3:
0x3c: {  	v0 =	vld [tilespmem:s23+$0xFFFFFFF0];
	(pc) =	sbr.rel @p1 .LBB1_3-.Ltmp3, $4  }
0x3d: {  	_ = 	snop  }
0x3e: {  	s20 =	sshra.s32 s20, $0x2  }
0x3f: {  	s20 =	sadd.s32 s20, s21  }
0x40: {  	s23 =	sadd.s32 $0x20, s23;
	[tilespmem:s20+$0x810 ss:$0x81] =	vst.msk $0xffff, v1  }
.Ltmp4:
0x41: {  	_ = 	snop;
	(pc) =	sbr.rel .LBB1_4-.Ltmp4, $1  }
0x42: {  	_ =	sdelay $0x3  }
.LBB1_6:
0x43: {  	_ =	sfence.sel $0x180000  }
0x44: {  	s2 =	simm.s32 $0x1;
	[bflag:$0x0] =	sbarrier.arrive $0xFFFF  }
0x45: {  	s31 =	simm.s32 $0x2;
	[sflag:s2] =	ssyncpa.u1 $0x1  }
0x46: {  	[sflag:s31] =	ssyncpa.u1 $0x1  }
0x47: {  	p0 =	sne.s32 s0, $0x0;
	_ =	strace $0x9000004D  }
0x48: {  	s0 =	sadd.s32 @!p0 $0x100000, s1;
	[bflag:$0x2] =	sbarrier.arrive $0xFFFF  }
0x49: {  	[sflag:s0] =	ssyncadd.tile.s32 @!p0 $0x1;
	_ =	shalt  }
.Lfunc_end1:
_tile_overlayer_lowered:
.L_overlay_start_2:
0x4a: {  	(tag) =	ssettag $0x2  }
0x4b: {  	s0 =	rddreg [dreg:$0x0];
	s2 =	stileid.u32  }
0x4c: {  	s1 =	rddreg [dreg:$0x1];
	p0 =	sne.s32 s2, $0x0  }
0x4d: {  	s3 =	rddreg [dreg:$0x2];
	[bflag:$0x3] =	sbarrier.arrive $0xFFFF;
	s2 =	simm.s32 @!p0 $0x1C01  }
0x4e: {  	[timem:s3], [sflag:s2] =	dma.local @!p0 [hbm:s0], s1  }
0x4f: {  	s0 =	simm.s32 @!p0 $0x1  }
0x50: {  	_ =	swait.ge @!p0 [sflag:s0], s1  }
0x51: {  	s1 =	ssub.s32 @!p0 $0x0, s1;
	[sflag:s0] =	ssyncset.done @!p0 $0x0  }
0x52: {  	[sflag:s0] =	ssyncadd.s32 @!p0 s1  }
0x53: {  	[bflag:$0x3] =	sbarrier.arrive $0xFFFF  }
0x54: {  	_ =	shalt  }

// kernel: sparse-core-data-format-call.cloned.1.call-start
scs
called_computation_lowered:
.L_overlay_start_0:
0x0: {  	s2 =	sld [smem:$0x3FD9]  }
0x1: {  	s3 =	sld [smem:$0x3FFE];
	_ =	sdelay $0x1  }
0x2: {  	s1 =	srdreg.scid  }
0x3: {  	s0 =	sand.u32 $0x1, s1  }
0x4: {  	s15 =	sshll.u32 s0, $0xA;
	s2 =	sadd.s32 s3, s2  }
0x5: {  	s2 =	sadd.s32 s2, s15  }
0x6: {  	[smem:$0x3FC7] =	sst s2  }
0x7: {  	_ = 	snop  }
0x8: {  	s2 =	sld [smem:$0x3FD0];
	_ =	sdelay $0x2  }
0x9: {  	s16 =	simm.s32 $0xB;
	s4 =	simm.s32 $0x10  }
0xa: {  	[smem:s4], [sflag:s16] =	dma.local [hbm:s2], $0x1  }
0xb: {  	_ =	swait.eq [sflag:s16], $0x1  }
0xc: {  	[sflag:s16] =	ssyncset.done $0x0  }
0xd: {  	[sflag:s16] =	ssyncadd.s32 $0xFFFFFFFF  }
0xe: {  	s17 =	sld [smem:$0x11];
	(tm) =	ssettm $0x1  }
0xf: {  	s18 =	sld [smem:$0x3FFB];
	_ =	sdelay $0x3  }
0x10: {  	_ =	strace s18  }
0x11: {  	s3 =	sld [smem:$0x3FFC];
	_ =	sdelay $0x3  }
0x12: {  	_ =	strace s3  }
0x13: {  	s3 =	sld [smem:$0x3FFD];
	_ =	sdelay $0x3  }
0x14: {  	_ =	strace s3  }
0x15: {  	_ =	strace $0x8FFFFFFF  }
0x16: {  	s19 =	sld [smem:$0x3FDB];
	_ =	sdelay $0x1  }
0x17: {  	s20 =	simm.s32 $_scs_section_size  }
0x18: {  	s5 =	simm.s32 $_size__tile_overlayer_lowered;
	s6 =	simm.s32 $_tile_overlayer_lowered  }
0x19: {  	s23 =	simm.s32 $0x1BFF;
	s22 =	sshll.u32 s6, $0x1;
	s3 =	sadd.s32 s20, s19  }
0x1a: {  	s7 =	simm.s32 $0x0;
	s21 =	sshll.u32 s5, $0x1;
	s5 =	sadd.s32 s22, s3  }
0x1b: {  	[timem:s7], [sflag:s23] =	dma.local [hbm:s5], s21  }
0x1c: {  	_ =	swait.ge [sflag:s23], s21  }
0x1d: {  	s4 =	ssub.s32 $0x0, s21;
	[sflag:s23] =	ssyncset.done $0x0  }
0x1e: {  	[sflag:s23] =	ssyncadd.s32 s4;
	_ =	sdelay $0x1  }
0x1f: {  	s24 =	simm.s32 $0x1B8B  }
0x20: {  	_ =	swait.ge [sflag:s24], $0x1  }
0x21: {  	[sflag:s24] =	ssyncset.done $0x0  }
0x22: {  	s26 =	simm.s32 $0x1B8E;
	s25 =	sld [smem:$0x3FFE];
	[sflag:s24] =	ssyncadd.s32 $0xFFFFFFFF  }
0x23: {  	s27 =	simm.s32 $execute0_lowered;
	[smem:$0x3FD2] =	sst s26  }
0x24: {  	s5 =	sshll.u32 s27, $0x1;
	_ =	strace $0x80000049;
	[dreg:$0x1] =	wrdreg $0xFFFFFFFF  }
0x25: {  	s28 =	simm.s32 $_size_execute0_lowered;
	s3 =	sadd.s32 s3, s5;
	[dreg:$0x0] =	wrdreg $0x0  }
0x26: {  	s5 =	sshll.u32 s28, $0x1;
	[dreg:$0x2] =	wrdreg s3  }
0x27: {  	[dreg:$0x3] =	wrdreg s5  }
0x28: {  	[dreg:$0x4] =	wrdreg $0xC0  }
0x29: {  	_ =	task [dreg:s7], $0x5FFFF  }
0x2a: {  	[dreg:$0x1] =	wrdreg $0xFFFFFFFF  }
0x2b: {  	[dreg:$0x0] =	wrdreg $0x60  }
0x2c: {  	[dreg:$0x2] =	wrdreg s25  }
0x2d: {  	[dreg:$0x3] =	wrdreg s17  }
0x2e: {  	[dreg:$0x4] =	wrdreg $0x9  }
0x2f: {  	_ =	task.clear_ibuf [dreg:s7], $0x5FFFF;
	_ =	strace $0x90000049  }
0x30: {  	s29 =	simm.s32 $0x9;
	_ =	strace $0x8000004B  }
0x31: {  	_ =	swait.ge [sflag:s29], $0x1  }
0x32: {  	[sflag:s29] =	ssyncadd.s32 $0xFFFFFFFF  }
0x33: {  	_ =	strace $0x9000004B  }
0x34: {  	_ =	sfence  }
0x35: {  	s30 =	sld [smem:$0x0];
	_ =	sdelay $0x2  }
0x36: {  	s31 =	sshll.u32 s1, $0xD;
	s1 =	sshrl.u32 s1, $0x2  }
0x37: {  	s3 =	sand.u32 $0x4000, s31;
	s1 =	sadd.s32 s1, s30  }
0x38: {  	s0 =	sor.u32 s3, s0;
	s1 =	sshll.u32 s1, $0x11  }
0x39: {  	s0 =	sor.u32 s1, s0  }
0x3a: {  	s0 =	sadd.s32 $0x8F2B, s0  }
0x3b: {  	[sflag:s0] =	ssyncadd.remote.s32 $0x1  }
0x3c: {  	_ =	sfence.sel $0xFFFF  }
0x3d: {  	[dreg:$0x0] =	wrdreg $0xFFFFFFFF;
	(pc) =	sbr.abs _section_cstart, $3  }
0x3e: {  	[dreg:$0x1] =	wrdreg $0xFFFFFFFF  }
0x3f: {  	_ =	task.clear_ibuf [dreg:s7], $0x2FFFF;
	_ =	strace $0x9FFFFFFF  }
0x40: {  	(tm) =	ssettm $0x7FFFFFFF  }
0x41: {  	_ =	shalt  }
tec
execute0_lowered:
.L_overlay_start_1:
0x0: {  	(tag) =	ssettag $0x1  }
0x1: {  	s0 =	stileid.u32;
	s4 =	rddreg [dreg:$0x0]  }
0x2: {  	s3 =	rddreg [dreg:$0x1];
	s7 =	srdreg.scid;
	s8 =	simm.s32 $0x2  }
0x3: {  	s15 =	simm.s32 $0x0;
	s9 =	simm.s32 $0xC000;
	s17 =	simm.s32 $0x0  }
0x4: {  	s18 =	simm.s32 $0x0;
	s16 =	simm.s32 $0x0;
	s1 =	sshll.u32 s0, $0x7  }
0x5: {  	s10 =	simm.s32 $0x0;
	s11 =	simm.s32 $0x0;
	s2 =	sand.u32 $0x380, s1  }
0x6: {  	s14 =	simm.s32 $0x0;
	s4 =	sadd.s32 $0x1001200, s4;
	s5 =	ssub.s32 $0x400, s2  }
0x7: {  	s7 =	sshll.u32 s7, $0x4;
	s1 =	rddreg [dreg:$0x2];
	s6 =	sand.u32 $0x380, s5  }
0x8: {  	s7 =	sand.u32 $0x10, s7;
	p0 =	sne.s32 s6, $0x0;
	s6 =	simm.s32 $0x1  }
.Ltmp0:
0x9: {  	s5 =	sshrl.u32 s5, $0xA;
	s6 =	simm.s32 @!p0 $0x0;
	(pc) =	sbr.rel .LBB1_1-.Ltmp0, $4  }
0xa: {  	_ =	strace $0x8000004A;
	s7 =	sor.u32 s0, s7;
	s6 =	sadd.s32 s6, s5  }
0xb: {  	s7 =	sshrl.u32 s7, $0x3;
	s5 =	simm.s32 $0x1;
	s6 =	smul.u32 $0x60, s6  }
0xc: {  	s13 =	smov.u32 s2;
	s12 =	smov.u32 s7;
	[sflag:s5] =	ssyncpa.u1 $0x0  }
0xd: {  	p0 =	por $0x0, $0x0;
	[sflag:s8] =	ssyncpa.u1 $0x0;
	s8 =	sor.u32 $0x1, s6  }
.LBB1_4:
0xe: {  	s21 =	sshll.u32 s18, $0xA  }
0xf: {  	s22 =	sshll.u32 s16, $0x3;
	s28 =	sand.u32 $0x78, s16;
	s29 =	sshll.u32 s18, $0x7  }
0x10: {  	s15 =	smul.u32 $0x30000, s15;
	s17 =	sshll.u32 s17, $0xB;
	s30 =	sand.u32 $0x7, s16  }
0x11: {  	s21 =	sand.u32 $0x2000, s21;
	s22 =	sand.u32 $0x3C00, s22;
	s18 =	sand.u32 $0x380, s29  }
0x12: {  	s17 =	sadd.s32 s3, s17;
	s21 =	sadd.s32 s22, s21;
	s18 =	sor.u32 s28, s18  }
0x13: {  	s15 =	sadd.s32 s15, s17;
	s21 =	sshrl.u32 s21, $0x3;
	s18 =	sshrl.u32 s18, $0x3  }
0x14: {  	s16 =	sshll.u32 s30, $0x12;
	s31 =	sand.u32 $0x780, s21;
	s15 =	sadd.s32 s18, s15  }
0x15: {  	[tilespmem:s20+$0x0 ss:$0x81] =	vst.msk $0xffff, v0;
	s16 =	sor.u32 $0x80, s16;
	s15 =	sadd.s32 s31, s15  }
0x16: {  	[hbm4b:s15+s16] =	stream.strided.scatter [tilespmem:s19], [sflag:$0x2], $0x1000, s9, s16, $0x20;
	[tilespmem:$0x4040] =	vst v63  }
.LBB1_5:
0x17: {  	s19 =	sadd.s32 $0x1, s10  }
0x18: {  	s15 =	simm.s32 $0x1;
	p2 =	sgt.s32 s19, $0x7  }
0x19: {  	s15 =	simm.s32 @!p2 $0x0  }
0x1a: {  	s20 =	sadd.s32 s15, s11  }
0x1b: {  	s21 =	smov.u32 s12;
	s15 =	sadd.s32 $0x4, s12;
	p3 =	sgt.s32 s20, $0x2  }
0x1c: {  	s21 =	smov.u32 @p3 s15  }
0x1d: {  	s22 =	smov.u32 s13;
	s15 =	sadd.s32 $0x400, s13;
	p4 =	sgt.s32 s21, $0xF  }
0x1e: {  	p1 =	slt.u32 s14, $0x2;
	s22 =	smov.u32 @p4 s15  }
0x1f: {  	s17 =	smov.u32 s11;
	s19 =	simm.s32 @p2 $0x0;
	p2 =	sgt.s32 s22, $0x3FF  }
0x20: {  	s23 =	simm.s32 @!p1 $0x2;
	s22 =	smov.u32 @p2 s2;
	p2 =	sne.s32 s14, s8  }
.Ltmp1:
0x21: {  	s18 =	smov.u32 s12;
	_ =	swait.ge @!p1 [sflag:s23], $0x1000;
	(pc) =	sbr.rel @!p2 .LBB1_6-.Ltmp1, $4  }
0x22: {  	s16 =	smov.u32 s13;
	[sflag:s23] =	ssyncset.done @!p1 $0x0;
	s20 =	simm.s32 @p3 $0x0  }
0x23: {  	p0 =	por !p0, !p0;
	[sflag:s23] =	ssyncadd.s32 @!p1 $0xFFFFF000;
	s11 =	smov.u32 s20  }
0x24: {  	s21 =	smov.u32 @p4 s7;
	s15 =	smov.u32 s10;
	s10 =	smov.u32 s19  }
0x25: {  	s12 =	smov.u32 s21;
	s14 =	sadd.s32 $0x1, s14;
	s13 =	smov.u32 s22  }
.LBB1_1:
0x26: {  	p1 =	sge.u32 s14, s6  }
0x27: {  	s19 =	smul.u32 @!p1 $0x1800, s13  }
0x28: {  	s31 =	sadd.s32 $0xFFFFFFFF, s14;
	s21 =	smul.u32 @!p1 $0x180, s12  }
0x29: {  	s20 =	sxor.u32 @!p1 $0xFFFFFFFF, s14;
	s22 =	sshll.u32 @!p1 s11, $0x7;
	s19 =	sadd.s32 @!p1 s4, s19  }
0x2a: {  	s23 =	sshll.u32 @!p1 s10, $0x4;
	s20 =	sshll.u32 @!p1 s20, $0xC;
	s19 =	sadd.s32 @!p1 s21, s19  }
0x2b: {  	s20 =	sand.u32 @!p1 $0x1000, s20;
	s21 =	sand.u32 @!p1 $0x70, s23;
	s19 =	sadd.s32 @!p1 s22, s19  }
0x2c: {  	s22 =	simm.s32 @!p1 $0xC000;
	s19 =	sadd.s32 @!p1 s21, s19;
	s21 =	simm.s32 @!p1 $0x20  }
0x2d: {  	[tilespmem:s20], [sflag:$0x1] =	stream.strided.gather @!p1 [hbm4b:s19+s21], $0x1000, s22, s21, $0x38;
	[tilespmem:$0x4040] =	vst v63  }
0x2e: {  	p1 =	sge.u32 s31, s6  }
.Ltmp2:
0x2f: {  	_ = 	snop;
	(pc) =	sbr.rel @p1 .LBB1_5-.Ltmp2, $1  }
0x30: {  	_ =	sdelay $0x3  }
0x31: {  	s19 =	simm.s32 $0x1  }
0x32: {  	_ =	swait.ge [sflag:s5], $0x1000;
	s19 =	simm.s32 @!p0 $0x0  }
0x33: {  	[sflag:s5] =	ssyncset.done $0x0;
	s20 =	sshll.u32 s19, $0xC  }
0x34: {  	[sflag:s5] =	ssyncadd.s32 $0xFFFFF000;
	s23 =	sor.u32 $0x10, s20  }
0x35: {  	s19 =	smul.u32 $0x4080, s19;
	v1 =	vld [tilespmem:s23+$0x0]  }
0x36: {  	s30 =	sand.u32 $0x1, s14;
	v0 =	vld [tilespmem:s23+$0xFFFFFFF0]  }
0x37: {  	s20 =	smul.u32 $0x4080, s30;
	s19 =	sshrl.u32 s19, $0x2  }
0x38: {  	s21 =	sor.u32 $0x2000, s19  }
0x39: {  	s31 =	sshrl.u32 s20, $0x2;
	s20 =	sadd.s32 $0x0, s21  }
0x3a: {  	s22 =	simm.s32 $0x4;
	s23 =	sadd.s32 $0x20, s23;
	s19 =	sor.u32 $0x2000, s31;
	[tilespmem:s20+$0x810 ss:$0x81] =	vst.msk $0xffff, v1  }
.LBB1_3:
0x3b: {  	v1 =	vld [tilespmem:s23+$0x0];
	p1 =	sne.s32 s22, $0x1FC;
	[tilespmem:s20+$0x0 ss:$0x81] =	vst.msk $0xffff, v0;
	s20 =	smov.u32 s22;
	s22 =	sadd.s32 $0x4, s22  }
.Ltmp3:
0x3c: {  	v0 =	vld [tilespmem:s23+$0xFFFFFFF0];
	(pc) =	sbr.rel @p1 .LBB1_3-.Ltmp3, $4  }
0x3d: {  	_ = 	snop  }
0x3e: {  	s20 =	sshra.s32 s20, $0x2  }
0x3f: {  	s20 =	sadd.s32 s20, s21  }
0x40: {  	s23 =	sadd.s32 $0x20, s23;
	[tilespmem:s20+$0x810 ss:$0x81] =	vst.msk $0xffff, v1  }
.Ltmp4:
0x41: {  	_ = 	snop;
	(pc) =	sbr.rel .LBB1_4-.Ltmp4, $1  }
0x42: {  	_ =	sdelay $0x3  }
.LBB1_6:
0x43: {  	_ =	sfence.sel $0x180000  }
0x44: {  	s2 =	simm.s32 $0x1;
	[bflag:$0x0] =	sbarrier.arrive $0xFFFF  }
0x45: {  	s31 =	simm.s32 $0x2;
	[sflag:s2] =	ssyncpa.u1 $0x1  }
0x46: {  	[sflag:s31] =	ssyncpa.u1 $0x1  }
0x47: {  	p0 =	sne.s32 s0, $0x0;
	_ =	strace $0x9000004A  }
0x48: {  	s0 =	sadd.s32 @!p0 $0x100000, s1;
	[bflag:$0x2] =	sbarrier.arrive $0xFFFF  }
0x49: {  	[sflag:s0] =	ssyncadd.tile.s32 @!p0 $0x1;
	_ =	shalt  }
.Lfunc_end1:
_tile_overlayer_lowered:
.L_overlay_start_2:
0x4a: {  	(tag) =	ssettag $0x2  }
0x4b: {  	s0 =	rddreg [dreg:$0x0];
	s2 =	stileid.u32  }
0x4c: {  	s1 =	rddreg [dreg:$0x1];
	p0 =	sne.s32 s2, $0x0  }
0x4d: {  	s3 =	rddreg [dreg:$0x2];
	[bflag:$0x3] =	sbarrier.arrive $0xFFFF;
	s2 =	simm.s32 @!p0 $0x1C01  }
0x4e: {  	[timem:s3], [sflag:s2] =	dma.local @!p0 [hbm:s0], s1  }
0x4f: {  	s0 =	simm.s32 @!p0 $0x1  }
0x50: {  	_ =	swait.ge @!p0 [sflag:s0], s1  }
0x51: {  	s1 =	ssub.s32 @!p0 $0x0, s1;
	[sflag:s0] =	ssyncset.done @!p0 $0x0  }
0x52: {  	[sflag:s0] =	ssyncadd.s32 @!p0 s1  }
0x53: {  	[bflag:$0x3] =	sbarrier.arrive $0xFFFF  }
0x54: {  	_ =	shalt  }

</sc_bundles>
